<compile_context>
chip_gen: v7x
topology: tpu7x:2x2x1
jax: 0.10.2.dev20260603
libtpu: 0.0.44.dev20260713+nightly
codegen_flags: <defaults>
</compile_context>

<pallas_src>
import jax
import jax.numpy as jnp
from jax import lax
from jax.experimental import pallas as pl
from jax.experimental.pallas import tpu as pltpu
from jax.experimental.pallas import tpu_sc as plsc

N_FACTORS = 16
BATCH = 16384
NC = 2
NS = 16
NW = NC * NS
BPW = BATCH // NW
LANES = 16
NCHUNK = BPW // LANES


def _mf_body(iu_hbm, ii_hbm, utabT_hbm, itabT_hbm, w_hbm, b_hbm, out_hbm,
             iu_v, ii_v, ub0, vb0, w_v, b_v, out_v, sem0):
    wid = lax.axis_index("s") * NC + lax.axis_index("c")
    base = wid * BPW

    pltpu.sync_copy(iu_hbm.at[pl.ds(base, BPW)], iu_v)
    pltpu.sync_copy(ii_hbm.at[pl.ds(base, BPW)], ii_v)
    pltpu.sync_copy(w_hbm, w_v)
    pltpu.sync_copy(b_hbm, b_v)
    wvec = w_v[...]
    b_b = b_v[...]

    lanes = lax.iota(jnp.int32, LANES)
    w_b = [jnp.take_along_axis(wvec, jnp.full((LANES,), f, jnp.int32), axis=0)
           for f in range(N_FACTORS)]

    def fire_chunk(k, ubuf, vbuf, sem):
        iu = iu_v[pl.ds(k * LANES, LANES)]
        ii = ii_v[pl.ds(k * LANES, LANES)]
        cu = lax.shift_left(lax.shift_right_logical(iu, 7), 7)
        ci = lax.shift_left(lax.shift_right_logical(ii, 7), 7)
        for l in range(LANES):
            co_u = pl.multiple_of(cu[l], 128)
            co_i = pl.multiple_of(ci[l], 128)
            pltpu.async_copy(utabT_hbm.at[:, pl.ds(co_u, 128)], ubuf.at[l], sem)
            pltpu.async_copy(itabT_hbm.at[:, pl.ds(co_i, 128)], vbuf.at[l], sem)

    def drain(ubuf, vbuf, sem):
        du = pltpu.make_async_copy(utabT_hbm.at[:, pl.ds(0, 128)], ubuf.at[0], sem)
        dv = pltpu.make_async_copy(itabT_hbm.at[:, pl.ds(0, 128)], vbuf.at[0], sem)
        for _ in range(LANES):
            du.wait()
            dv.wait()

    def compute_chunk(k, ubuf, vbuf):
        sl = pl.ds(k * LANES, LANES)
        ul = lax.bitwise_and(iu_v[sl], 127)
        il = lax.bitwise_and(ii_v[sl], 127)
        acc = b_b
        for f in range(N_FACTORS):
            fidx = jnp.full((LANES,), f, jnp.int32)
            ucol = plsc.load_gather(ubuf, [lanes, fidx, ul])
            vcol = plsc.load_gather(vbuf, [lanes, fidx, il])
            acc = acc + ucol * vcol * w_b[f]
        out_v[sl] = acc

    def step(k, carry):
        fire_chunk(k, ub0, vb0, sem0)
        drain(ub0, vb0, sem0)
        compute_chunk(k, ub0, vb0)
        return carry

    lax.fori_loop(0, NCHUNK, step, 0)

    pltpu.sync_copy(out_v, out_hbm.at[pl.ds(base, BPW)])


@jax.jit
def _mf_call(idx_users, idx_items, user_embT, item_embT, w, b):
    mesh = plsc.VectorSubcoreMesh(core_axis_name="c", subcore_axis_name="s")
    fn = pl.kernel(
        _mf_body,
        out_type=jax.ShapeDtypeStruct((BATCH,), jnp.float32),
        mesh=mesh,
        compiler_params=pltpu.CompilerParams(needs_layout_passes=False),
        scratch_types=[
            pltpu.VMEM((BPW,), jnp.int32),
            pltpu.VMEM((BPW,), jnp.int32),
            pltpu.VMEM((LANES, N_FACTORS, 128), jnp.float32),
            pltpu.VMEM((LANES, N_FACTORS, 128), jnp.float32),
            pltpu.VMEM((N_FACTORS,), jnp.float32),
            pltpu.VMEM((LANES,), jnp.float32),
            pltpu.VMEM((BPW,), jnp.float32),
            pltpu.SemaphoreType.DMA,
        ],
    )
    return fn(idx_users, idx_items, user_embT, item_embT, w, b)


def kernel(idx_users, idx_items, user_emb_mf, item_emb_mf, W_out, b_out):
    w_row = W_out.reshape((N_FACTORS,))
    b16 = jnp.broadcast_to(b_out.reshape(()), (LANES,))
    return _mf_call(idx_users.astype(jnp.int32), idx_items.astype(jnp.int32),
                    user_emb_mf.T, item_emb_mf.T, w_row, b16)

# --- scband reference (transcript-rebuilt; emitter-appended) ---
"""Pipeline reference for scband-mf-33225867002585 (READ-ONLY COPY).

The authoritative reference and input builder live on the scoring server;
editing this copy changes nothing except your own understanding.
"""

import jax, jax.numpy as jnp
import numpy as np

N_USERS = 1000000
N_ITEMS = 1000000
N_FACTORS = 16
BATCH = 16384

def setup_inputs(seed: int = 0) -> dict:
    key = jax.random.key(seed)
    k1, k2, k3, k4, k5 = jax.random.split(key, 5)
    idx_users = jax.random.randint(k1, (BATCH,), 0, N_USERS)
    idx_items = jax.random.randint(k2, (BATCH,), 0, N_ITEMS)
    # nn.init.normal_(std=0.01) for embedding tables
    user_emb_mf = jax.random.normal(k3, (N_USERS, N_FACTORS), dtype=jnp.float32) * 0.01
    item_emb_mf = jax.random.normal(k4, (N_ITEMS, N_FACTORS), dtype=jnp.float32) * 0.01
    # output linear: kaiming-uniform-ish init, bias zero
    bound = float(np.sqrt(3.0 / N_FACTORS))
    W_out = jax.random.uniform(k5, (1, N_FACTORS), dtype=jnp.float32, minval=-bound, maxval=bound)
    b_out = jnp.zeros((1,), dtype=jnp.float32)
    return {
        "idx_users": idx_users,
        "idx_items": idx_items,
        "user_emb_mf": user_emb_mf,
        "item_emb_mf": item_emb_mf,
        "W_out": W_out,
        "b_out": b_out,
    }

def reference(idx_users, idx_items, user_emb_mf, item_emb_mf, W_out, b_out):
    # model == 'MF' path: MF embeddings only, elementwise product, linear output, squeeze
    user_embs_mf = jnp.take(user_emb_mf, idx_users, axis=0)
    item_embs_mf = jnp.take(item_emb_mf, idx_items, axis=0)
    mf_output = user_embs_mf * item_embs_mf
    out = mf_output @ W_out.T + b_out
    return jnp.squeeze(out, axis=-1)

if __name__ == "__main__":
    import jax
    _d = setup_inputs()
    print(jax.jit(kernel)(*tuple(_d.values())))

</pallas_src>

<mosaic_0001>
#map = affine_map<(d0, d1) -> (0)>
#map1 = affine_map<(d0, d1) -> (0, 0)>
module attributes {stable_mosaic.version = 14 : i64} {
  func.func @_mf_body(%arg0: i32, %arg1: i32, %arg2: memref<16384xi32, #tpu.memory_space<hbm>>, %arg3: memref<16384xi32, #tpu.memory_space<hbm>>, %arg4: memref<16x1000000xf32, #tpu.memory_space<hbm>>, %arg5: memref<16x1000000xf32, #tpu.memory_space<hbm>>, %arg6: memref<16xf32, #tpu.memory_space<hbm>>, %arg7: memref<16xf32, #tpu.memory_space<hbm>>, %arg8: memref<16384xf32, #tpu.memory_space<hbm>>, %arg9: memref<512xi32, #tpu.memory_space<vmem>>, %arg10: memref<512xi32, #tpu.memory_space<vmem>>, %arg11: memref<16x16x128xf32, #tpu.memory_space<vmem>>, %arg12: memref<16x16x128xf32, #tpu.memory_space<vmem>>, %arg13: memref<16xf32, #tpu.memory_space<vmem>>, %arg14: memref<16xf32, #tpu.memory_space<vmem>>, %arg15: memref<512xf32, #tpu.memory_space<vmem>>, %arg16: memref<!tpu.dma_semaphore, #tpu.memory_space<semaphore_mem>>) attributes {dimension_semantics = [#tpu.dimension_semantics<core_parallel>, #tpu.dimension_semantics<subcore_parallel>], iteration_bounds = array<i64: 2, 16>, scalar_prefetch = 0 : i64, scratch_operands = 8 : i64, tpu.core_type = #tpu.core_type<sc_vector_subcore>, window_params = [{transform_indices = #map}, {transform_indices = #map}, {transform_indices = #map1}, {transform_indices = #map1}, {transform_indices = #map}, {transform_indices = #map}, {transform_indices = #map}]} {
    %mul3A = arith.constant 2 : i32
    %mul3A_0 = arith.muli %arg1, %mul3A : i32
    %add3A = arith.addi %mul3A_0, %arg0 : i32
    %mul3A_1 = arith.constant 512 : i32
    %mul3A_2 = arith.muli %add3A, %mul3A_1 : i32
    "tpu.region"() ({
      %run_scoped3A = tpu.sem_alloc : memref<!tpu.dma_semaphore, #tpu.memory_space<semaphore_mem>>
      %dma_start3A = tpu.memref_slice %arg2[%mul3A_2] : memref<16384xi32, #tpu.memory_space<hbm>> -> memref<512xi32, #tpu.memory_space<hbm>>
      %dma_start3A_198 = tpu.memref_slice %arg2[%mul3A_2] : memref<16384xi32, #tpu.memory_space<hbm>> -> memref<512xi32, #tpu.memory_space<hbm>>
      tpu.enqueue_dma source(%dma_start3A_198 : memref<512xi32, #tpu.memory_space<hbm>>) target(%arg9 : memref<512xi32, #tpu.memory_space<vmem>>) target_semaphore(%run_scoped3A : memref<!tpu.dma_semaphore, #tpu.memory_space<semaphore_mem>>)
      %dma_wait3A = tpu.memref_slice %arg2[%mul3A_2] : memref<16384xi32, #tpu.memory_space<hbm>> -> memref<512xi32, #tpu.memory_space<hbm>>
      %dma_wait3A_199 = tpu.memref_slice %arg2[%mul3A_2] : memref<16384xi32, #tpu.memory_space<hbm>> -> memref<512xi32, #tpu.memory_space<hbm>>
      tpu.wait_dma2 semaphore(%run_scoped3A : memref<!tpu.dma_semaphore, #tpu.memory_space<semaphore_mem>>) src(%dma_wait3A_199 : memref<512xi32, #tpu.memory_space<hbm>>) dst(%arg9 : memref<512xi32, #tpu.memory_space<vmem>>)
      tpu.yield
    }) : () -> ()
    "tpu.region"() ({
      %run_scoped3A = tpu.sem_alloc : memref<!tpu.dma_semaphore, #tpu.memory_space<semaphore_mem>>
      %dma_start3A = tpu.memref_slice %arg3[%mul3A_2] : memref<16384xi32, #tpu.memory_space<hbm>> -> memref<512xi32, #tpu.memory_space<hbm>>
      %dma_start3A_198 = tpu.memref_slice %arg3[%mul3A_2] : memref<16384xi32, #tpu.memory_space<hbm>> -> memref<512xi32, #tpu.memory_space<hbm>>
      tpu.enqueue_dma source(%dma_start3A_198 : memref<512xi32, #tpu.memory_space<hbm>>) target(%arg10 : memref<512xi32, #tpu.memory_space<vmem>>) target_semaphore(%run_scoped3A : memref<!tpu.dma_semaphore, #tpu.memory_space<semaphore_mem>>)
      %dma_wait3A = tpu.memref_slice %arg3[%mul3A_2] : memref<16384xi32, #tpu.memory_space<hbm>> -> memref<512xi32, #tpu.memory_space<hbm>>
      %dma_wait3A_199 = tpu.memref_slice %arg3[%mul3A_2] : memref<16384xi32, #tpu.memory_space<hbm>> -> memref<512xi32, #tpu.memory_space<hbm>>
      tpu.wait_dma2 semaphore(%run_scoped3A : memref<!tpu.dma_semaphore, #tpu.memory_space<semaphore_mem>>) src(%dma_wait3A_199 : memref<512xi32, #tpu.memory_space<hbm>>) dst(%arg10 : memref<512xi32, #tpu.memory_space<vmem>>)
      tpu.yield
    }) : () -> ()
    "tpu.region"() ({
      %run_scoped3A = tpu.sem_alloc : memref<!tpu.dma_semaphore, #tpu.memory_space<semaphore_mem>>
      tpu.enqueue_dma source(%arg6 : memref<16xf32, #tpu.memory_space<hbm>>) target(%arg13 : memref<16xf32, #tpu.memory_space<vmem>>) target_semaphore(%run_scoped3A : memref<!tpu.dma_semaphore, #tpu.memory_space<semaphore_mem>>)
      tpu.wait_dma2 semaphore(%run_scoped3A : memref<!tpu.dma_semaphore, #tpu.memory_space<semaphore_mem>>) src(%arg6 : memref<16xf32, #tpu.memory_space<hbm>>) dst(%arg13 : memref<16xf32, #tpu.memory_space<vmem>>)
      tpu.yield
    }) : () -> ()
    "tpu.region"() ({
      %run_scoped3A = tpu.sem_alloc : memref<!tpu.dma_semaphore, #tpu.memory_space<semaphore_mem>>
      tpu.enqueue_dma source(%arg7 : memref<16xf32, #tpu.memory_space<hbm>>) target(%arg14 : memref<16xf32, #tpu.memory_space<vmem>>) target_semaphore(%run_scoped3A : memref<!tpu.dma_semaphore, #tpu.memory_space<semaphore_mem>>)
      tpu.wait_dma2 semaphore(%run_scoped3A : memref<!tpu.dma_semaphore, #tpu.memory_space<semaphore_mem>>) src(%arg7 : memref<16xf32, #tpu.memory_space<hbm>>) dst(%arg14 : memref<16xf32, #tpu.memory_space<vmem>>)
      tpu.yield
    }) : () -> ()
    %get3A = arith.constant 0 : index
    %get3A_3 = tpu.vector_load %arg13[%get3A] {strides = array<i32>} : memref<16xf32, #tpu.memory_space<vmem>>, vector<16xf32>,
    %get3A_4 = arith.constant 0 : index
    %get3A_5 = tpu.vector_load %arg14[%get3A_4] {strides = array<i32>} : memref<16xf32, #tpu.memory_space<vmem>>, vector<16xf32>,
    %iota3A = tpu.iota {dimensions = array<i32: 0>} : vector<16xi32>
    %broadcast_in_dim3A = arith.constant 0 : i32
    %broadcast_in_dim3A_6 = vector.broadcast %broadcast_in_dim3A : i32 to vector<16xi32>
    %lt3A = arith.constant 0 : i32
    %lt3A_7 = vector.broadcast %lt3A : i32 to vector<16xi32>
    %lt3A_8 = arith.cmpi slt, %broadcast_in_dim3A_6, %lt3A_7 : vector<16xi32>
    %add3A_9 = arith.constant 16 : i32
    %add3A_10 = vector.broadcast %add3A_9 : i32 to vector<16xi32>
    %add3A_11 = arith.addi %broadcast_in_dim3A_6, %add3A_10 : vector<16xi32>
    %select_n3A = arith.select %lt3A_8, %add3A_11, %broadcast_in_dim3A_6 : vector<16xi1>, vector<16xi32>
    %reshape3A = vector.shape_cast %select_n3A : vector<16xi32> to vector<16x1xi32>
    %gather3A = vector.shape_cast %reshape3A : vector<16x1xi32> to vector<16xi32>
    %gather3A_12 = tpu.dynamic_gather %get3A_3[%gather3A] in [0] : vector<16xf32>, vector<16xi32> -> vector<16xf32>
    %broadcast_in_dim3A_13 = arith.constant 1 : i32
    %broadcast_in_dim3A_14 = vector.broadcast %broadcast_in_dim3A_13 : i32 to vector<16xi32>
    %lt3A_15 = arith.constant 0 : i32
    %lt3A_16 = vector.broadcast %lt3A_15 : i32 to vector<16xi32>
    %lt3A_17 = arith.cmpi slt, %broadcast_in_dim3A_14, %lt3A_16 : vector<16xi32>
    %add3A_18 = arith.constant 16 : i32
    %add3A_19 = vector.broadcast %add3A_18 : i32 to vector<16xi32>
    %add3A_20 = arith.addi %broadcast_in_dim3A_14, %add3A_19 : vector<16xi32>
    %select_n3A_21 = arith.select %lt3A_17, %add3A_20, %broadcast_in_dim3A_14 : vector<16xi1>, vector<16xi32>
    %reshape3A_22 = vector.shape_cast %select_n3A_21 : vector<16xi32> to vector<16x1xi32>
    %gather3A_23 = vector.shape_cast %reshape3A_22 : vector<16x1xi32> to vector<16xi32>
    %gather3A_24 = tpu.dynamic_gather %get3A_3[%gather3A_23] in [0] : vector<16xf32>, vector<16xi32> -> vector<16xf32>
    %broadcast_in_dim3A_25 = arith.constant 2 : i32
    %broadcast_in_dim3A_26 = vector.broadcast %broadcast_in_dim3A_25 : i32 to vector<16xi32>
    %lt3A_27 = arith.constant 0 : i32
    %lt3A_28 = vector.broadcast %lt3A_27 : i32 to vector<16xi32>
    %lt3A_29 = arith.cmpi slt, %broadcast_in_dim3A_26, %lt3A_28 : vector<16xi32>
    %add3A_30 = arith.constant 16 : i32
    %add3A_31 = vector.broadcast %add3A_30 : i32 to vector<16xi32>
    %add3A_32 = arith.addi %broadcast_in_dim3A_26, %add3A_31 : vector<16xi32>
    %select_n3A_33 = arith.select %lt3A_29, %add3A_32, %broadcast_in_dim3A_26 : vector<16xi1>, vector<16xi32>
    %reshape3A_34 = vector.shape_cast %select_n3A_33 : vector<16xi32> to vector<16x1xi32>
    %gather3A_35 = vector.shape_cast %reshape3A_34 : vector<16x1xi32> to vector<16xi32>
    %gather3A_36 = tpu.dynamic_gather %get3A_3[%gather3A_35] in [0] : vector<16xf32>, vector<16xi32> -> vector<16xf32>
    %broadcast_in_dim3A_37 = arith.constant 3 : i32
    %broadcast_in_dim3A_38 = vector.broadcast %broadcast_in_dim3A_37 : i32 to vector<16xi32>
    %lt3A_39 = arith.constant 0 : i32
    %lt3A_40 = vector.broadcast %lt3A_39 : i32 to vector<16xi32>
    %lt3A_41 = arith.cmpi slt, %broadcast_in_dim3A_38, %lt3A_40 : vector<16xi32>
    %add3A_42 = arith.constant 16 : i32
    %add3A_43 = vector.broadcast %add3A_42 : i32 to vector<16xi32>
    %add3A_44 = arith.addi %broadcast_in_dim3A_38, %add3A_43 : vector<16xi32>
    %select_n3A_45 = arith.select %lt3A_41, %add3A_44, %broadcast_in_dim3A_38 : vector<16xi1>, vector<16xi32>
    %reshape3A_46 = vector.shape_cast %select_n3A_45 : vector<16xi32> to vector<16x1xi32>
    %gather3A_47 = vector.shape_cast %reshape3A_46 : vector<16x1xi32> to vector<16xi32>
    %gather3A_48 = tpu.dynamic_gather %get3A_3[%gather3A_47] in [0] : vector<16xf32>, vector<16xi32> -> vector<16xf32>
    %broadcast_in_dim3A_49 = arith.constant 4 : i32
    %broadcast_in_dim3A_50 = vector.broadcast %broadcast_in_dim3A_49 : i32 to vector<16xi32>
    %lt3A_51 = arith.constant 0 : i32
    %lt3A_52 = vector.broadcast %lt3A_51 : i32 to vector<16xi32>
    %lt3A_53 = arith.cmpi slt, %broadcast_in_dim3A_50, %lt3A_52 : vector<16xi32>
    %add3A_54 = arith.constant 16 : i32
    %add3A_55 = vector.broadcast %add3A_54 : i32 to vector<16xi32>
    %add3A_56 = arith.addi %broadcast_in_dim3A_50, %add3A_55 : vector<16xi32>
    %select_n3A_57 = arith.select %lt3A_53, %add3A_56, %broadcast_in_dim3A_50 : vector<16xi1>, vector<16xi32>
    %reshape3A_58 = vector.shape_cast %select_n3A_57 : vector<16xi32> to vector<16x1xi32>
    %gather3A_59 = vector.shape_cast %reshape3A_58 : vector<16x1xi32> to vector<16xi32>
    %gather3A_60 = tpu.dynamic_gather %get3A_3[%gather3A_59] in [0] : vector<16xf32>, vector<16xi32> -> vector<16xf32>
    %broadcast_in_dim3A_61 = arith.constant 5 : i32
    %broadcast_in_dim3A_62 = vector.broadcast %broadcast_in_dim3A_61 : i32 to vector<16xi32>
    %lt3A_63 = arith.constant 0 : i32
    %lt3A_64 = vector.broadcast %lt3A_63 : i32 to vector<16xi32>
    %lt3A_65 = arith.cmpi slt, %broadcast_in_dim3A_62, %lt3A_64 : vector<16xi32>
    %add3A_66 = arith.constant 16 : i32
    %add3A_67 = vector.broadcast %add3A_66 : i32 to vector<16xi32>
    %add3A_68 = arith.addi %broadcast_in_dim3A_62, %add3A_67 : vector<16xi32>
    %select_n3A_69 = arith.select %lt3A_65, %add3A_68, %broadcast_in_dim3A_62 : vector<16xi1>, vector<16xi32>
    %reshape3A_70 = vector.shape_cast %select_n3A_69 : vector<16xi32> to vector<16x1xi32>
    %gather3A_71 = vector.shape_cast %reshape3A_70 : vector<16x1xi32> to vector<16xi32>
    %gather3A_72 = tpu.dynamic_gather %get3A_3[%gather3A_71] in [0] : vector<16xf32>, vector<16xi32> -> vector<16xf32>
    %broadcast_in_dim3A_73 = arith.constant 6 : i32
    %broadcast_in_dim3A_74 = vector.broadcast %broadcast_in_dim3A_73 : i32 to vector<16xi32>
    %lt3A_75 = arith.constant 0 : i32
    %lt3A_76 = vector.broadcast %lt3A_75 : i32 to vector<16xi32>
    %lt3A_77 = arith.cmpi slt, %broadcast_in_dim3A_74, %lt3A_76 : vector<16xi32>
    %add3A_78 = arith.constant 16 : i32
    %add3A_79 = vector.broadcast %add3A_78 : i32 to vector<16xi32>
    %add3A_80 = arith.addi %broadcast_in_dim3A_74, %add3A_79 : vector<16xi32>
    %select_n3A_81 = arith.select %lt3A_77, %add3A_80, %broadcast_in_dim3A_74 : vector<16xi1>, vector<16xi32>
    %reshape3A_82 = vector.shape_cast %select_n3A_81 : vector<16xi32> to vector<16x1xi32>
    %gather3A_83 = vector.shape_cast %reshape3A_82 : vector<16x1xi32> to vector<16xi32>
    %gather3A_84 = tpu.dynamic_gather %get3A_3[%gather3A_83] in [0] : vector<16xf32>, vector<16xi32> -> vector<16xf32>
    %broadcast_in_dim3A_85 = arith.constant 7 : i32
    %broadcast_in_dim3A_86 = vector.broadcast %broadcast_in_dim3A_85 : i32 to vector<16xi32>
    %lt3A_87 = arith.constant 0 : i32
    %lt3A_88 = vector.broadcast %lt3A_87 : i32 to vector<16xi32>
    %lt3A_89 = arith.cmpi slt, %broadcast_in_dim3A_86, %lt3A_88 : vector<16xi32>
    %add3A_90 = arith.constant 16 : i32
    %add3A_91 = vector.broadcast %add3A_90 : i32 to vector<16xi32>
    %add3A_92 = arith.addi %broadcast_in_dim3A_86, %add3A_91 : vector<16xi32>
    %select_n3A_93 = arith.select %lt3A_89, %add3A_92, %broadcast_in_dim3A_86 : vector<16xi1>, vector<16xi32>
    %reshape3A_94 = vector.shape_cast %select_n3A_93 : vector<16xi32> to vector<16x1xi32>
    %gather3A_95 = vector.shape_cast %reshape3A_94 : vector<16x1xi32> to vector<16xi32>
    %gather3A_96 = tpu.dynamic_gather %get3A_3[%gather3A_95] in [0] : vector<16xf32>, vector<16xi32> -> vector<16xf32>
    %broadcast_in_dim3A_97 = arith.constant 8 : i32
    %broadcast_in_dim3A_98 = vector.broadcast %broadcast_in_dim3A_97 : i32 to vector<16xi32>
    %lt3A_99 = arith.constant 0 : i32
    %lt3A_100 = vector.broadcast %lt3A_99 : i32 to vector<16xi32>
    %lt3A_101 = arith.cmpi slt, %broadcast_in_dim3A_98, %lt3A_100 : vector<16xi32>
    %add3A_102 = arith.constant 16 : i32
    %add3A_103 = vector.broadcast %add3A_102 : i32 to vector<16xi32>
    %add3A_104 = arith.addi %broadcast_in_dim3A_98, %add3A_103 : vector<16xi32>
    %select_n3A_105 = arith.select %lt3A_101, %add3A_104, %broadcast_in_dim3A_98 : vector<16xi1>, vector<16xi32>
    %reshape3A_106 = vector.shape_cast %select_n3A_105 : vector<16xi32> to vector<16x1xi32>
    %gather3A_107 = vector.shape_cast %reshape3A_106 : vector<16x1xi32> to vector<16xi32>
    %gather3A_108 = tpu.dynamic_gather %get3A_3[%gather3A_107] in [0] : vector<16xf32>, vector<16xi32> -> vector<16xf32>
    %broadcast_in_dim3A_109 = arith.constant 9 : i32
    %broadcast_in_dim3A_110 = vector.broadcast %broadcast_in_dim3A_109 : i32 to vector<16xi32>
    %lt3A_111 = arith.constant 0 : i32
    %lt3A_112 = vector.broadcast %lt3A_111 : i32 to vector<16xi32>
    %lt3A_113 = arith.cmpi slt, %broadcast_in_dim3A_110, %lt3A_112 : vector<16xi32>
    %add3A_114 = arith.constant 16 : i32
    %add3A_115 = vector.broadcast %add3A_114 : i32 to vector<16xi32>
    %add3A_116 = arith.addi %broadcast_in_dim3A_110, %add3A_115 : vector<16xi32>
    %select_n3A_117 = arith.select %lt3A_113, %add3A_116, %broadcast_in_dim3A_110 : vector<16xi1>, vector<16xi32>
    %reshape3A_118 = vector.shape_cast %select_n3A_117 : vector<16xi32> to vector<16x1xi32>
    %gather3A_119 = vector.shape_cast %reshape3A_118 : vector<16x1xi32> to vector<16xi32>
    %gather3A_120 = tpu.dynamic_gather %get3A_3[%gather3A_119] in [0] : vector<16xf32>, vector<16xi32> -> vector<16xf32>
    %broadcast_in_dim3A_121 = arith.constant 10 : i32
    %broadcast_in_dim3A_122 = vector.broadcast %broadcast_in_dim3A_121 : i32 to vector<16xi32>
    %lt3A_123 = arith.constant 0 : i32
    %lt3A_124 = vector.broadcast %lt3A_123 : i32 to vector<16xi32>
    %lt3A_125 = arith.cmpi slt, %broadcast_in_dim3A_122, %lt3A_124 : vector<16xi32>
    %add3A_126 = arith.constant 16 : i32
    %add3A_127 = vector.broadcast %add3A_126 : i32 to vector<16xi32>
    %add3A_128 = arith.addi %broadcast_in_dim3A_122, %add3A_127 : vector<16xi32>
    %select_n3A_129 = arith.select %lt3A_125, %add3A_128, %broadcast_in_dim3A_122 : vector<16xi1>, vector<16xi32>
    %reshape3A_130 = vector.shape_cast %select_n3A_129 : vector<16xi32> to vector<16x1xi32>
    %gather3A_131 = vector.shape_cast %reshape3A_130 : vector<16x1xi32> to vector<16xi32>
    %gather3A_132 = tpu.dynamic_gather %get3A_3[%gather3A_131] in [0] : vector<16xf32>, vector<16xi32> -> vector<16xf32>
    %broadcast_in_dim3A_133 = arith.constant 11 : i32
    %broadcast_in_dim3A_134 = vector.broadcast %broadcast_in_dim3A_133 : i32 to vector<16xi32>
    %lt3A_135 = arith.constant 0 : i32
    %lt3A_136 = vector.broadcast %lt3A_135 : i32 to vector<16xi32>
    %lt3A_137 = arith.cmpi slt, %broadcast_in_dim3A_134, %lt3A_136 : vector<16xi32>
    %add3A_138 = arith.constant 16 : i32
    %add3A_139 = vector.broadcast %add3A_138 : i32 to vector<16xi32>
    %add3A_140 = arith.addi %broadcast_in_dim3A_134, %add3A_139 : vector<16xi32>
    %select_n3A_141 = arith.select %lt3A_137, %add3A_140, %broadcast_in_dim3A_134 : vector<16xi1>, vector<16xi32>
    %reshape3A_142 = vector.shape_cast %select_n3A_141 : vector<16xi32> to vector<16x1xi32>
    %gather3A_143 = vector.shape_cast %reshape3A_142 : vector<16x1xi32> to vector<16xi32>
    %gather3A_144 = tpu.dynamic_gather %get3A_3[%gather3A_143] in [0] : vector<16xf32>, vector<16xi32> -> vector<16xf32>
    %broadcast_in_dim3A_145 = arith.constant 12 : i32
    %broadcast_in_dim3A_146 = vector.broadcast %broadcast_in_dim3A_145 : i32 to vector<16xi32>
    %lt3A_147 = arith.constant 0 : i32
    %lt3A_148 = vector.broadcast %lt3A_147 : i32 to vector<16xi32>
    %lt3A_149 = arith.cmpi slt, %broadcast_in_dim3A_146, %lt3A_148 : vector<16xi32>
    %add3A_150 = arith.constant 16 : i32
    %add3A_151 = vector.broadcast %add3A_150 : i32 to vector<16xi32>
    %add3A_152 = arith.addi %broadcast_in_dim3A_146, %add3A_151 : vector<16xi32>
    %select_n3A_153 = arith.select %lt3A_149, %add3A_152, %broadcast_in_dim3A_146 : vector<16xi1>, vector<16xi32>
    %reshape3A_154 = vector.shape_cast %select_n3A_153 : vector<16xi32> to vector<16x1xi32>
    %gather3A_155 = vector.shape_cast %reshape3A_154 : vector<16x1xi32> to vector<16xi32>
    %gather3A_156 = tpu.dynamic_gather %get3A_3[%gather3A_155] in [0] : vector<16xf32>, vector<16xi32> -> vector<16xf32>
    %broadcast_in_dim3A_157 = arith.constant 13 : i32
    %broadcast_in_dim3A_158 = vector.broadcast %broadcast_in_dim3A_157 : i32 to vector<16xi32>
    %lt3A_159 = arith.constant 0 : i32
    %lt3A_160 = vector.broadcast %lt3A_159 : i32 to vector<16xi32>
    %lt3A_161 = arith.cmpi slt, %broadcast_in_dim3A_158, %lt3A_160 : vector<16xi32>
    %add3A_162 = arith.constant 16 : i32
    %add3A_163 = vector.broadcast %add3A_162 : i32 to vector<16xi32>
    %add3A_164 = arith.addi %broadcast_in_dim3A_158, %add3A_163 : vector<16xi32>
    %select_n3A_165 = arith.select %lt3A_161, %add3A_164, %broadcast_in_dim3A_158 : vector<16xi1>, vector<16xi32>
    %reshape3A_166 = vector.shape_cast %select_n3A_165 : vector<16xi32> to vector<16x1xi32>
    %gather3A_167 = vector.shape_cast %reshape3A_166 : vector<16x1xi32> to vector<16xi32>
    %gather3A_168 = tpu.dynamic_gather %get3A_3[%gather3A_167] in [0] : vector<16xf32>, vector<16xi32> -> vector<16xf32>
    %broadcast_in_dim3A_169 = arith.constant 14 : i32
    %broadcast_in_dim3A_170 = vector.broadcast %broadcast_in_dim3A_169 : i32 to vector<16xi32>
    %lt3A_171 = arith.constant 0 : i32
    %lt3A_172 = vector.broadcast %lt3A_171 : i32 to vector<16xi32>
    %lt3A_173 = arith.cmpi slt, %broadcast_in_dim3A_170, %lt3A_172 : vector<16xi32>
    %add3A_174 = arith.constant 16 : i32
    %add3A_175 = vector.broadcast %add3A_174 : i32 to vector<16xi32>
    %add3A_176 = arith.addi %broadcast_in_dim3A_170, %add3A_175 : vector<16xi32>
    %select_n3A_177 = arith.select %lt3A_173, %add3A_176, %broadcast_in_dim3A_170 : vector<16xi1>, vector<16xi32>
    %reshape3A_178 = vector.shape_cast %select_n3A_177 : vector<16xi32> to vector<16x1xi32>
    %gather3A_179 = vector.shape_cast %reshape3A_178 : vector<16x1xi32> to vector<16xi32>
    %gather3A_180 = tpu.dynamic_gather %get3A_3[%gather3A_179] in [0] : vector<16xf32>, vector<16xi32> -> vector<16xf32>
    %broadcast_in_dim3A_181 = arith.constant 15 : i32
    %broadcast_in_dim3A_182 = vector.broadcast %broadcast_in_dim3A_181 : i32 to vector<16xi32>
    %lt3A_183 = arith.constant 0 : i32
    %lt3A_184 = vector.broadcast %lt3A_183 : i32 to vector<16xi32>
    %lt3A_185 = arith.cmpi slt, %broadcast_in_dim3A_182, %lt3A_184 : vector<16xi32>
    %add3A_186 = arith.constant 16 : i32
    %add3A_187 = vector.broadcast %add3A_186 : i32 to vector<16xi32>
    %add3A_188 = arith.addi %broadcast_in_dim3A_182, %add3A_187 : vector<16xi32>
    %select_n3A_189 = arith.select %lt3A_185, %add3A_188, %broadcast_in_dim3A_182 : vector<16xi1>, vector<16xi32>
    %reshape3A_190 = vector.shape_cast %select_n3A_189 : vector<16xi32> to vector<16x1xi32>
    %gather3A_191 = vector.shape_cast %reshape3A_190 : vector<16x1xi32> to vector<16xi32>
    %gather3A_192 = tpu.dynamic_gather %get3A_3[%gather3A_191] in [0] : vector<16xf32>, vector<16xi32> -> vector<16xf32>
    %scan3A = arith.constant 0 : i32
    %scan3A_193 = arith.constant 0 : i32
    %scan3A_194 = arith.constant 32 : i32
    %scan3A_195 = arith.addi %scan3A_193, %scan3A_194 : i32
    %scan3A_196 = arith.constant 1 : i32
    scf.for %scan3A_198 = %scan3A_193 to %scan3A_195 step %scan3A_196  : i32 {
      %mul3A_199 = arith.constant 16 : i32
      %mul3A_200 = arith.muli %scan3A_198, %mul3A_199 : i32
      %get3A_201 = arith.index_cast %mul3A_200 : i32 to index
      %get3A_202 = tpu.vector_load %arg9[%get3A_201] {strides = array<i32>} : memref<512xi32, #tpu.memory_space<vmem>>, vector<16xi32>,
      %mul3A_203 = arith.constant 16 : i32
      %mul3A_204 = arith.muli %scan3A_198, %mul3A_203 : i32
      %get3A_205 = arith.index_cast %mul3A_204 : i32 to index
      %get3A_206 = tpu.vector_load %arg10[%get3A_205] {strides = array<i32>} : memref<512xi32, #tpu.memory_space<vmem>>, vector<16xi32>,
      %shift_right_logical3A = arith.constant 7 : i32
      %shift_right_logical3A_207 = vector.broadcast %shift_right_logical3A : i32 to vector<16xi32>
      %shift_right_logical3A_208 = arith.shrui %get3A_202, %shift_right_logical3A_207 : vector<16xi32>
      %shift_left3A = arith.constant 7 : i32
      %shift_left3A_209 = vector.broadcast %shift_left3A : i32 to vector<16xi32>
      %shift_left3A_210 = arith.shli %shift_right_logical3A_208, %shift_left3A_209 : vector<16xi32>
      %shift_right_logical3A_211 = arith.constant 7 : i32
      %shift_right_logical3A_212 = vector.broadcast %shift_right_logical3A_211 : i32 to vector<16xi32>
      %shift_right_logical3A_213 = arith.shrui %get3A_206, %shift_right_logical3A_212 : vector<16xi32>
      %shift_left3A_214 = arith.constant 7 : i32
      %shift_left3A_215 = vector.broadcast %shift_left3A_214 : i32 to vector<16xi32>
      %shift_left3A_216 = arith.shli %shift_right_logical3A_213, %shift_left3A_215 : vector<16xi32>
      %slice3A = vector.extract_strided_slice %shift_left3A_210 {offsets = [0], sizes = [1], strides = [1]} : vector<16xi32> to vector<1xi32>
      %squeeze3A = vector.extract %slice3A[0] : i32 from vector<1xi32>
      %multiple_of3A = tpu.assume_multiple %squeeze3A, 128 : i32
      %slice3A_217 = vector.extract_strided_slice %shift_left3A_216 {offsets = [0], sizes = [1], strides = [1]} : vector<16xi32> to vector<1xi32>
      %squeeze3A_218 = vector.extract %slice3A_217[0] : i32 from vector<1xi32>
      %multiple_of3A_219 = tpu.assume_multiple %squeeze3A_218, 128 : i32
      %dma_start3A = arith.constant 0 : i32
      %dma_start3A_220 = arith.constant 0 : i32
      %dma_start3A_221 = arith.constant 0 : i32
      %dma_start3A_222 = tpu.memref_slice %arg11[%dma_start3A, %dma_start3A_220, %dma_start3A_221] : memref<16x16x128xf32, #tpu.memory_space<vmem>> -> memref<1x16x128xf32, #tpu.memory_space<vmem>>
      %dma_start3A_223 = tpu.memref_squeeze %dma_start3A_222 : memref<1x16x128xf32, #tpu.memory_space<vmem>> -> memref<16x128xf32, #tpu.memory_space<vmem>>
      %dma_start3A_224 = arith.constant 0 : i32
      %dma_start3A_225 = tpu.memref_slice %arg4[%dma_start3A_224, %multiple_of3A] : memref<16x1000000xf32, #tpu.memory_space<hbm>> -> memref<16x128xf32, #tpu.memory_space<hbm>>
      %dma_start3A_226 = arith.constant 0 : i32
      %dma_start3A_227 = arith.constant 0 : i32
      %dma_start3A_228 = tpu.memref_slice %arg11[%dma_start3A, %dma_start3A_226, %dma_start3A_227] : memref<16x16x128xf32, #tpu.memory_space<vmem>> -> memref<1x16x128xf32, #tpu.memory_space<vmem>>
      %dma_start3A_229 = tpu.memref_squeeze %dma_start3A_228 : memref<1x16x128xf32, #tpu.memory_space<vmem>> -> memref<16x128xf32, #tpu.memory_space<vmem>>
      %dma_start3A_230 = arith.constant 0 : i32
      %dma_start3A_231 = tpu.memref_slice %arg4[%dma_start3A_230, %multiple_of3A] : memref<16x1000000xf32, #tpu.memory_space<hbm>> -> memref<16x128xf32, #tpu.memory_space<hbm>>
      tpu.enqueue_dma source(%dma_start3A_231 : memref<16x128xf32, #tpu.memory_space<hbm>>) target(%dma_start3A_229 : memref<16x128xf32, #tpu.memory_space<vmem>>) target_semaphore(%arg16 : memref<!tpu.dma_semaphore, #tpu.memory_space<semaphore_mem>>)
      %dma_start3A_232 = arith.constant 0 : i32
      %dma_start3A_233 = arith.constant 0 : i32
      %dma_start3A_234 = arith.constant 0 : i32
      %dma_start3A_235 = tpu.memref_slice %arg12[%dma_start3A_232, %dma_start3A_233, %dma_start3A_234] : memref<16x16x128xf32, #tpu.memory_space<vmem>> -> memref<1x16x128xf32, #tpu.memory_space<vmem>>
      %dma_start3A_236 = tpu.memref_squeeze %dma_start3A_235 : memref<1x16x128xf32, #tpu.memory_space<vmem>> -> memref<16x128xf32, #tpu.memory_space<vmem>>
      %dma_start3A_237 = arith.constant 0 : i32
      %dma_start3A_238 = tpu.memref_slice %arg5[%dma_start3A_237, %multiple_of3A_219] : memref<16x1000000xf32, #tpu.memory_space<hbm>> -> memref<16x128xf32, #tpu.memory_space<hbm>>
      %dma_start3A_239 = arith.constant 0 : i32
      %dma_start3A_240 = arith.constant 0 : i32
      %dma_start3A_241 = tpu.memref_slice %arg12[%dma_start3A_232, %dma_start3A_239, %dma_start3A_240] : memref<16x16x128xf32, #tpu.memory_space<vmem>> -> memref<1x16x128xf32, #tpu.memory_space<vmem>>
      %dma_start3A_242 = tpu.memref_squeeze %dma_start3A_241 : memref<1x16x128xf32, #tpu.memory_space<vmem>> -> memref<16x128xf32, #tpu.memory_space<vmem>>
      %dma_start3A_243 = arith.constant 0 : i32
      %dma_start3A_244 = tpu.memref_slice %arg5[%dma_start3A_243, %multiple_of3A_219] : memref<16x1000000xf32, #tpu.memory_space<hbm>> -> memref<16x128xf32, #tpu.memory_space<hbm>>
      tpu.enqueue_dma source(%dma_start3A_244 : memref<16x128xf32, #tpu.memory_space<hbm>>) target(%dma_start3A_242 : memref<16x128xf32, #tpu.memory_space<vmem>>) target_semaphore(%arg16 : memref<!tpu.dma_semaphore, #tpu.memory_space<semaphore_mem>>)
      %slice3A_245 = vector.extract_strided_slice %shift_left3A_210 {offsets = [1], sizes = [1], strides = [1]} : vector<16xi32> to vector<1xi32>
      %squeeze3A_246 = vector.extract %slice3A_245[0] : i32 from vector<1xi32>
      %multiple_of3A_247 = tpu.assume_multiple %squeeze3A_246, 128 : i32
      %slice3A_248 = vector.extract_strided_slice %shift_left3A_216 {offsets = [1], sizes = [1], strides = [1]} : vector<16xi32> to vector<1xi32>
      %squeeze3A_249 = vector.extract %slice3A_248[0] : i32 from vector<1xi32>
      %multiple_of3A_250 = tpu.assume_multiple %squeeze3A_249, 128 : i32
      %dma_start3A_251 = arith.constant 1 : i32
      %dma_start3A_252 = arith.constant 0 : i32
      %dma_start3A_253 = arith.constant 0 : i32
      %dma_start3A_254 = tpu.memref_slice %arg11[%dma_start3A_251, %dma_start3A_252, %dma_start3A_253] : memref<16x16x128xf32, #tpu.memory_space<vmem>> -> memref<1x16x128xf32, #tpu.memory_space<vmem>>
      %dma_start3A_255 = tpu.memref_squeeze %dma_start3A_254 : memref<1x16x128xf32, #tpu.memory_space<vmem>> -> memref<16x128xf32, #tpu.memory_space<vmem>>
      %dma_start3A_256 = arith.constant 0 : i32
      %dma_start3A_257 = tpu.memref_slice %arg4[%dma_start3A_256, %multiple_of3A_247] : memref<16x1000000xf32, #tpu.memory_space<hbm>> -> memref<16x128xf32, #tpu.memory_space<hbm>>
      %dma_start3A_258 = arith.constant 0 : i32
      %dma_start3A_259 = arith.constant 0 : i32
      %dma_start3A_260 = tpu.memref_slice %arg11[%dma_start3A_251, %dma_start3A_258, %dma_start3A_259] : memref<16x16x128xf32, #tpu.memory_space<vmem>> -> memref<1x16x128xf32, #tpu.memory_space<vmem>>
      %dma_start3A_261 = tpu.memref_squeeze %dma_start3A_260 : memref<1x16x128xf32, #tpu.memory_space<vmem>> -> memref<16x128xf32, #tpu.memory_space<vmem>>
      %dma_start3A_262 = arith.constant 0 : i32
      %dma_start3A_263 = tpu.memref_slice %arg4[%dma_start3A_262, %multiple_of3A_247] : memref<16x1000000xf32, #tpu.memory_space<hbm>> -> memref<16x128xf32, #tpu.memory_space<hbm>>
      tpu.enqueue_dma source(%dma_start3A_263 : memref<16x128xf32, #tpu.memory_space<hbm>>) target(%dma_start3A_261 : memref<16x128xf32, #tpu.memory_space<vmem>>) target_semaphore(%arg16 : memref<!tpu.dma_semaphore, #tpu.memory_space<semaphore_mem>>)
      %dma_start3A_264 = arith.constant 1 : i32
      %dma_start3A_265 = arith.constant 0 : i32
      %dma_start3A_266 = arith.constant 0 : i32
      %dma_start3A_267 = tpu.memref_slice %arg12[%dma_start3A_264, %dma_start3A_265, %dma_start3A_266] : memref<16x16x128xf32, #tpu.memory_space<vmem>> -> memref<1x16x128xf32, #tpu.memory_space<vmem>>
      %dma_start3A_268 = tpu.memref_squeeze %dma_start3A_267 : memref<1x16x128xf32, #tpu.memory_space<vmem>> -> memref<16x128xf32, #tpu.memory_space<vmem>>
      %dma_start3A_269 = arith.constant 0 : i32
      %dma_start3A_270 = tpu.memref_slice %arg5[%dma_start3A_269, %multiple_of3A_250] : memref<16x1000000xf32, #tpu.memory_space<hbm>> -> memref<16x128xf32, #tpu.memory_space<hbm>>
      %dma_start3A_271 = arith.constant 0 : i32
      %dma_start3A_272 = arith.constant 0 : i32
      %dma_start3A_273 = tpu.memref_slice %arg12[%dma_start3A_264, %dma_start3A_271, %dma_start3A_272] : memref<16x16x128xf32, #tpu.memory_space<vmem>> -> memref<1x16x128xf32, #tpu.memory_space<vmem>>
      %dma_start3A_274 = tpu.memref_squeeze %dma_start3A_273 : memref<1x16x128xf32, #tpu.memory_space<vmem>> -> memref<16x128xf32, #tpu.memory_space<vmem>>
      %dma_start3A_275 = arith.constant 0 : i32
      %dma_start3A_276 = tpu.memref_slice %arg5[%dma_start3A_275, %multiple_of3A_250] : memref<16x1000000xf32, #tpu.memory_space<hbm>> -> memref<16x128xf32, #tpu.memory_space<hbm>>
      tpu.enqueue_dma source(%dma_start3A_276 : memref<16x128xf32, #tpu.memory_space<hbm>>) target(%dma_start3A_274 : memref<16x128xf32, #tpu.memory_space<vmem>>) target_semaphore(%arg16 : memref<!tpu.dma_semaphore, #tpu.memory_space<semaphore_mem>>)
      %slice3A_277 = vector.extract_strided_slice %shift_left3A_210 {offsets = [2], sizes = [1], strides = [1]} : vector<16xi32> to vector<1xi32>
      %squeeze3A_278 = vector.extract %slice3A_277[0] : i32 from vector<1xi32>
      %multiple_of3A_279 = tpu.assume_multiple %squeeze3A_278, 128 : i32
      %slice3A_280 = vector.extract_strided_slice %shift_left3A_216 {offsets = [2], sizes = [1], strides = [1]} : vector<16xi32> to vector<1xi32>
      %squeeze3A_281 = vector.extract %slice3A_280[0] : i32 from vector<1xi32>
      %multiple_of3A_282 = tpu.assume_multiple %squeeze3A_281, 128 : i32
      %dma_start3A_283 = arith.constant 2 : i32
      %dma_start3A_284 = arith.constant 0 : i32
      %dma_start3A_285 = arith.constant 0 : i32
      %dma_start3A_286 = tpu.memref_slice %arg11[%dma_start3A_283, %dma_start3A_284, %dma_start3A_285] : memref<16x16x128xf32, #tpu.memory_space<vmem>> -> memref<1x16x128xf32, #tpu.memory_space<vmem>>
      %dma_start3A_287 = tpu.memref_squeeze %dma_start3A_286 : memref<1x16x128xf32, #tpu.memory_space<vmem>> -> memref<16x128xf32, #tpu.memory_space<vmem>>
      %dma_start3A_288 = arith.constant 0 : i32
      %dma_start3A_289 = tpu.memref_slice %arg4[%dma_start3A_288, %multiple_of3A_279] : memref<16x1000000xf32, #tpu.memory_space<hbm>> -> memref<16x128xf32, #tpu.memory_space<hbm>>
      %dma_start3A_290 = arith.constant 0 : i32
      %dma_start3A_291 = arith.constant 0 : i32
      %dma_start3A_292 = tpu.memref_slice %arg11[%dma_start3A_283, %dma_start3A_290, %dma_start3A_291] : memref<16x16x128xf32, #tpu.memory_space<vmem>> -> memref<1x16x128xf32, #tpu.memory_space<vmem>>
      %dma_start3A_293 = tpu.memref_squeeze %dma_start3A_292 : memref<1x16x128xf32, #tpu.memory_space<vmem>> -> memref<16x128xf32, #tpu.memory_space<vmem>>
      %dma_start3A_294 = arith.constant 0 : i32
      %dma_start3A_295 = tpu.memref_slice %arg4[%dma_start3A_294, %multiple_of3A_279] : memref<16x1000000xf32, #tpu.memory_space<hbm>> -> memref<16x128xf32, #tpu.memory_space<hbm>>
      tpu.enqueue_dma source(%dma_start3A_295 : memref<16x128xf32, #tpu.memory_space<hbm>>) target(%dma_start3A_293 : memref<16x128xf32, #tpu.memory_space<vmem>>) target_semaphore(%arg16 : memref<!tpu.dma_semaphore, #tpu.memory_space<semaphore_mem>>)
      %dma_start3A_296 = arith.constant 2 : i32
      %dma_start3A_297 = arith.constant 0 : i32
      %dma_start3A_298 = arith.constant 0 : i32
      %dma_start3A_299 = tpu.memref_slice %arg12[%dma_start3A_296, %dma_start3A_297, %dma_start3A_298] : memref<16x16x128xf32, #tpu.memory_space<vmem>> -> memref<1x16x128xf32, #tpu.memory_space<vmem>>
      %dma_start3A_300 = tpu.memref_squeeze %dma_start3A_299 : memref<1x16x128xf32, #tpu.memory_space<vmem>> -> memref<16x128xf32, #tpu.memory_space<vmem>>
      %dma_start3A_301 = arith.constant 0 : i32
      %dma_start3A_302 = tpu.memref_slice %arg5[%dma_start3A_301, %multiple_of3A_282] : memref<16x1000000xf32, #tpu.memory_space<hbm>> -> memref<16x128xf32, #tpu.memory_space<hbm>>
      %dma_start3A_303 = arith.constant 0 : i32
      %dma_start3A_304 = arith.constant 0 : i32
      %dma_start3A_305 = tpu.memref_slice %arg12[%dma_start3A_296, %dma_start3A_303, %dma_start3A_304] : memref<16x16x128xf32, #tpu.memory_space<vmem>> -> memref<1x16x128xf32, #tpu.memory_space<vmem>>
      %dma_start3A_306 = tpu.memref_squeeze %dma_start3A_305 : memref<1x16x128xf32, #tpu.memory_space<vmem>> -> memref<16x128xf32, #tpu.memory_space<vmem>>
      %dma_start3A_307 = arith.constant 0 : i32
      %dma_start3A_308 = tpu.memref_slice %arg5[%dma_start3A_307, %multiple_of3A_282] : memref<16x1000000xf32, #tpu.memory_space<hbm>> -> memref<16x128xf32, #tpu.memory_space<hbm>>
      tpu.enqueue_dma source(%dma_start3A_308 : memref<16x128xf32, #tpu.memory_space<hbm>>) target(%dma_start3A_306 : memref<16x128xf32, #tpu.memory_space<vmem>>) target_semaphore(%arg16 : memref<!tpu.dma_semaphore, #tpu.memory_space<semaphore_mem>>)
      %slice3A_309 = vector.extract_strided_slice %shift_left3A_210 {offsets = [3], sizes = [1], strides = [1]} : vector<16xi32> to vector<1xi32>
      %squeeze3A_310 = vector.extract %slice3A_309[0] : i32 from vector<1xi32>
      %multiple_of3A_311 = tpu.assume_multiple %squeeze3A_310, 128 : i32
      %slice3A_312 = vector.extract_strided_slice %shift_left3A_216 {offsets = [3], sizes = [1], strides = [1]} : vector<16xi32> to vector<1xi32>
      %squeeze3A_313 = vector.extract %slice3A_312[0] : i32 from vector<1xi32>
      %multiple_of3A_314 = tpu.assume_multiple %squeeze3A_313, 128 : i32
      %dma_start3A_315 = arith.constant 3 : i32
      %dma_start3A_316 = arith.constant 0 : i32
      %dma_start3A_317 = arith.constant 0 : i32
      %dma_start3A_318 = tpu.memref_slice %arg11[%dma_start3A_315, %dma_start3A_316, %dma_start3A_317] : memref<16x16x128xf32, #tpu.memory_space<vmem>> -> memref<1x16x128xf32, #tpu.memory_space<vmem>>
      %dma_start3A_319 = tpu.memref_squeeze %dma_start3A_318 : memref<1x16x128xf32, #tpu.memory_space<vmem>> -> memref<16x128xf32, #tpu.memory_space<vmem>>
      %dma_start3A_320 = arith.constant 0 : i32
      %dma_start3A_321 = tpu.memref_slice %arg4[%dma_start3A_320, %multiple_of3A_311] : memref<16x1000000xf32, #tpu.memory_space<hbm>> -> memref<16x128xf32, #tpu.memory_space<hbm>>
      %dma_start3A_322 = arith.constant 0 : i32
      %dma_start3A_323 = arith.constant 0 : i32
      %dma_start3A_324 = tpu.memref_slice %arg11[%dma_start3A_315, %dma_start3A_322, %dma_start3A_323] : memref<16x16x128xf32, #tpu.memory_space<vmem>> -> memref<1x16x128xf32, #tpu.memory_space<vmem>>
      %dma_start3A_325 = tpu.memref_squeeze %dma_start3A_324 : memref<1x16x128xf32, #tpu.memory_space<vmem>> -> memref<16x128xf32, #tpu.memory_space<vmem>>
      %dma_start3A_326 = arith.constant 0 : i32
      %dma_start3A_327 = tpu.memref_slice %arg4[%dma_start3A_326, %multiple_of3A_311] : memref<16x1000000xf32, #tpu.memory_space<hbm>> -> memref<16x128xf32, #tpu.memory_space<hbm>>
      tpu.enqueue_dma source(%dma_start3A_327 : memref<16x128xf32, #tpu.memory_space<hbm>>) target(%dma_start3A_325 : memref<16x128xf32, #tpu.memory_space<vmem>>) target_semaphore(%arg16 : memref<!tpu.dma_semaphore, #tpu.memory_space<semaphore_mem>>)
      %dma_start3A_328 = arith.constant 3 : i32
      %dma_start3A_329 = arith.constant 0 : i32
      %dma_start3A_330 = arith.constant 0 : i32
      %dma_start3A_331 = tpu.memref_slice %arg12[%dma_start3A_328, %dma_start3A_329, %dma_start3A_330] : memref<16x16x128xf32, #tpu.memory_space<vmem>> -> memref<1x16x128xf32, #tpu.memory_space<vmem>>
      %dma_start3A_332 = tpu.memref_squeeze %dma_start3A_331 : memref<1x16x128xf32, #tpu.memory_space<vmem>> -> memref<16x128xf32, #tpu.memory_space<vmem>>
      %dma_start3A_333 = arith.constant 0 : i32
      %dma_start3A_334 = tpu.memref_slice %arg5[%dma_start3A_333, %multiple_of3A_314] : memref<16x1000000xf32, #tpu.memory_space<hbm>> -> memref<16x128xf32, #tpu.memory_space<hbm>>
      %dma_start3A_335 = arith.constant 0 : i32
      %dma_start3A_336 = arith.constant 0 : i32
      %dma_start3A_337 = tpu.memref_slice %arg12[%dma_start3A_328, %dma_start3A_335, %dma_start3A_336] : memref<16x16x128xf32, #tpu.memory_space<vmem>> -> memref<1x16x128xf32, #tpu.memory_space<vmem>>
      %dma_start3A_338 = tpu.memref_squeeze %dma_start3A_337 : memref<1x16x128xf32, #tpu.memory_space<vmem>> -> memref<16x128xf32, #tpu.memory_space<vmem>>
      %dma_start3A_339 = arith.constant 0 : i32
      %dma_start3A_340 = tpu.memref_slice %arg5[%dma_start3A_339, %multiple_of3A_314] : memref<16x1000000xf32, #tpu.memory_space<hbm>> -> memref<16x128xf32, #tpu.memory_space<hbm>>
      tpu.enqueue_dma source(%dma_start3A_340 : memref<16x128xf32, #tpu.memory_space<hbm>>) target(%dma_start3A_338 : memref<16x128xf32, #tpu.memory_space<vmem>>) target_semaphore(%arg16 : memref<!tpu.dma_semaphore, #tpu.memory_space<semaphore_mem>>)
      %slice3A_341 = vector.extract_strided_slice %shift_left3A_210 {offsets = [4], sizes = [1], strides = [1]} : vector<16xi32> to vector<1xi32>
      %squeeze3A_342 = vector.extract %slice3A_341[0] : i32 from vector<1xi32>
      %multiple_of3A_343 = tpu.assume_multiple %squeeze3A_342, 128 : i32
      %slice3A_344 = vector.extract_strided_slice %shift_left3A_216 {offsets = [4], sizes = [1], strides = [1]} : vector<16xi32> to vector<1xi32>
      %squeeze3A_345 = vector.extract %slice3A_344[0] : i32 from vector<1xi32>
      %multiple_of3A_346 = tpu.assume_multiple %squeeze3A_345, 128 : i32
      %dma_start3A_347 = arith.constant 4 : i32
      %dma_start3A_348 = arith.constant 0 : i32
      %dma_start3A_349 = arith.constant 0 : i32
      %dma_start3A_350 = tpu.memref_slice %arg11[%dma_start3A_347, %dma_start3A_348, %dma_start3A_349] : memref<16x16x128xf32, #tpu.memory_space<vmem>> -> memref<1x16x128xf32, #tpu.memory_space<vmem>>
      %dma_start3A_351 = tpu.memref_squeeze %dma_start3A_350 : memref<1x16x128xf32, #tpu.memory_space<vmem>> -> memref<16x128xf32, #tpu.memory_space<vmem>>
      %dma_start3A_352 = arith.constant 0 : i32
      %dma_start3A_353 = tpu.memref_slice %arg4[%dma_start3A_352, %multiple_of3A_343] : memref<16x1000000xf32, #tpu.memory_space<hbm>> -> memref<16x128xf32, #tpu.memory_space<hbm>>
      %dma_start3A_354 = arith.constant 0 : i32
      %dma_start3A_355 = arith.constant 0 : i32
      %dma_start3A_356 = tpu.memref_slice %arg11[%dma_start3A_347, %dma_start3A_354, %dma_start3A_355] : memref<16x16x128xf32, #tpu.memory_space<vmem>> -> memref<1x16x128xf32, #tpu.memory_space<vmem>>
      %dma_start3A_357 = tpu.memref_squeeze %dma_start3A_356 : memref<1x16x128xf32, #tpu.memory_space<vmem>> -> memref<16x128xf32, #tpu.memory_space<vmem>>
      %dma_start3A_358 = arith.constant 0 : i32
      %dma_start3A_359 = tpu.memref_slice %arg4[%dma_start3A_358, %multiple_of3A_343] : memref<16x1000000xf32, #tpu.memory_space<hbm>> -> memref<16x128xf32, #tpu.memory_space<hbm>>
      tpu.enqueue_dma source(%dma_start3A_359 : memref<16x128xf32, #tpu.memory_space<hbm>>) target(%dma_start3A_357 : memref<16x128xf32, #tpu.memory_space<vmem>>) target_semaphore(%arg16 : memref<!tpu.dma_semaphore, #tpu.memory_space<semaphore_mem>>)
      %dma_start3A_360 = arith.constant 4 : i32
      %dma_start3A_361 = arith.constant 0 : i32
      %dma_start3A_362 = arith.constant 0 : i32
      %dma_start3A_363 = tpu.memref_slice %arg12[%dma_start3A_360, %dma_start3A_361, %dma_start3A_362] : memref<16x16x128xf32, #tpu.memory_space<vmem>> -> memref<1x16x128xf32, #tpu.memory_space<vmem>>
      %dma_start3A_364 = tpu.memref_squeeze %dma_start3A_363 : memref<1x16x128xf32, #tpu.memory_space<vmem>> -> memref<16x128xf32, #tpu.memory_space<vmem>>
      %dma_start3A_365 = arith.constant 0 : i32
      %dma_start3A_366 = tpu.memref_slice %arg5[%dma_start3A_365, %multiple_of3A_346] : memref<16x1000000xf32, #tpu.memory_space<hbm>> -> memref<16x128xf32, #tpu.memory_space<hbm>>
      %dma_start3A_367 = arith.constant 0 : i32
      %dma_start3A_368 = arith.constant 0 : i32
      %dma_start3A_369 = tpu.memref_slice %arg12[%dma_start3A_360, %dma_start3A_367, %dma_start3A_368] : memref<16x16x128xf32, #tpu.memory_space<vmem>> -> memref<1x16x128xf32, #tpu.memory_space<vmem>>
      %dma_start3A_370 = tpu.memref_squeeze %dma_start3A_369 : memref<1x16x128xf32, #tpu.memory_space<vmem>> -> memref<16x128xf32, #tpu.memory_space<vmem>>
      %dma_start3A_371 = arith.constant 0 : i32
      %dma_start3A_372 = tpu.memref_slice %arg5[%dma_start3A_371, %multiple_of3A_346] : memref<16x1000000xf32, #tpu.memory_space<hbm>> -> memref<16x128xf32, #tpu.memory_space<hbm>>
      tpu.enqueue_dma source(%dma_start3A_372 : memref<16x128xf32, #tpu.memory_space<hbm>>) target(%dma_start3A_370 : memref<16x128xf32, #tpu.memory_space<vmem>>) target_semaphore(%arg16 : memref<!tpu.dma_semaphore, #tpu.memory_space<semaphore_mem>>)
      %slice3A_373 = vector.extract_strided_slice %shift_left3A_210 {offsets = [5], sizes = [1], strides = [1]} : vector<16xi32> to vector<1xi32>
      %squeeze3A_374 = vector.extract %slice3A_373[0] : i32 from vector<1xi32>
      %multiple_of3A_375 = tpu.assume_multiple %squeeze3A_374, 128 : i32
      %slice3A_376 = vector.extract_strided_slice %shift_left3A_216 {offsets = [5], sizes = [1], strides = [1]} : vector<16xi32> to vector<1xi32>
      %squeeze3A_377 = vector.extract %slice3A_376[0] : i32 from vector<1xi32>
      %multiple_of3A_378 = tpu.assume_multiple %squeeze3A_377, 128 : i32
      %dma_start3A_379 = arith.constant 5 : i32
      %dma_start3A_380 = arith.constant 0 : i32
      %dma_start3A_381 = arith.constant 0 : i32
      %dma_start3A_382 = tpu.memref_slice %arg11[%dma_start3A_379, %dma_start3A_380, %dma_start3A_381] : memref<16x16x128xf32, #tpu.memory_space<vmem>> -> memref<1x16x128xf32, #tpu.memory_space<vmem>>
      %dma_start3A_383 = tpu.memref_squeeze %dma_start3A_382 : memref<1x16x128xf32, #tpu.memory_space<vmem>> -> memref<16x128xf32, #tpu.memory_space<vmem>>
      %dma_start3A_384 = arith.constant 0 : i32
      %dma_start3A_385 = tpu.memref_slice %arg4[%dma_start3A_384, %multiple_of3A_375] : memref<16x1000000xf32, #tpu.memory_space<hbm>> -> memref<16x128xf32, #tpu.memory_space<hbm>>
      %dma_start3A_386 = arith.constant 0 : i32
      %dma_start3A_387 = arith.constant 0 : i32
      %dma_start3A_388 = tpu.memref_slice %arg11[%dma_start3A_379, %dma_start3A_386, %dma_start3A_387] : memref<16x16x128xf32, #tpu.memory_space<vmem>> -> memref<1x16x128xf32, #tpu.memory_space<vmem>>
      %dma_start3A_389 = tpu.memref_squeeze %dma_start3A_388 : memref<1x16x128xf32, #tpu.memory_space<vmem>> -> memref<16x128xf32, #tpu.memory_space<vmem>>
      %dma_start3A_390 = arith.constant 0 : i32
      %dma_start3A_391 = tpu.memref_slice %arg4[%dma_start3A_390, %multiple_of3A_375] : memref<16x1000000xf32, #tpu.memory_space<hbm>> -> memref<16x128xf32, #tpu.memory_space<hbm>>
      tpu.enqueue_dma source(%dma_start3A_391 : memref<16x128xf32, #tpu.memory_space<hbm>>) target(%dma_start3A_389 : memref<16x128xf32, #tpu.memory_space<vmem>>) target_semaphore(%arg16 : memref<!tpu.dma_semaphore, #tpu.memory_space<semaphore_mem>>)
      %dma_start3A_392 = arith.constant 5 : i32
      %dma_start3A_393 = arith.constant 0 : i32
      %dma_start3A_394 = arith.constant 0 : i32
      %dma_start3A_395 = tpu.memref_slice %arg12[%dma_start3A_392, %dma_start3A_393, %dma_start3A_394] : memref<16x16x128xf32, #tpu.memory_space<vmem>> -> memref<1x16x128xf32, #tpu.memory_space<vmem>>
      %dma_start3A_396 = tpu.memref_squeeze %dma_start3A_395 : memref<1x16x128xf32, #tpu.memory_space<vmem>> -> memref<16x128xf32, #tpu.memory_space<vmem>>
      %dma_start3A_397 = arith.constant 0 : i32
      %dma_start3A_398 = tpu.memref_slice %arg5[%dma_start3A_397, %multiple_of3A_378] : memref<16x1000000xf32, #tpu.memory_space<hbm>> -> memref<16x128xf32, #tpu.memory_space<hbm>>
      %dma_start3A_399 = arith.constant 0 : i32
      %dma_start3A_400 = arith.constant 0 : i32
      %dma_start3A_401 = tpu.memref_slice %arg12[%dma_start3A_392, %dma_start3A_399, %dma_start3A_400] : memref<16x16x128xf32, #tpu.memory_space<vmem>> -> memref<1x16x128xf32, #tpu.memory_space<vmem>>
      %dma_start3A_402 = tpu.memref_squeeze %dma_start3A_401 : memref<1x16x128xf32, #tpu.memory_space<vmem>> -> memref<16x128xf32, #tpu.memory_space<vmem>>
      %dma_start3A_403 = arith.constant 0 : i32
      %dma_start3A_404 = tpu.memref_slice %arg5[%dma_start3A_403, %multiple_of3A_378] : memref<16x1000000xf32, #tpu.memory_space<hbm>> -> memref<16x128xf32, #tpu.memory_space<hbm>>
      tpu.enqueue_dma source(%dma_start3A_404 : memref<16x128xf32, #tpu.memory_space<hbm>>) target(%dma_start3A_402 : memref<16x128xf32, #tpu.memory_space<vmem>>) target_semaphore(%arg16 : memref<!tpu.dma_semaphore, #tpu.memory_space<semaphore_mem>>)
      %slice3A_405 = vector.extract_strided_slice %shift_left3A_210 {offsets = [6], sizes = [1], strides = [1]} : vector<16xi32> to vector<1xi32>
      %squeeze3A_406 = vector.extract %slice3A_405[0] : i32 from vector<1xi32>
      %multiple_of3A_407 = tpu.assume_multiple %squeeze3A_406, 128 : i32
      %slice3A_408 = vector.extract_strided_slice %shift_left3A_216 {offsets = [6], sizes = [1], strides = [1]} : vector<16xi32> to vector<1xi32>
      %squeeze3A_409 = vector.extract %slice3A_408[0] : i32 from vector<1xi32>
      %multiple_of3A_410 = tpu.assume_multiple %squeeze3A_409, 128 : i32
      %dma_start3A_411 = arith.constant 6 : i32
      %dma_start3A_412 = arith.constant 0 : i32
      %dma_start3A_413 = arith.constant 0 : i32
      %dma_start3A_414 = tpu.memref_slice %arg11[%dma_start3A_411, %dma_start3A_412, %dma_start3A_413] : memref<16x16x128xf32, #tpu.memory_space<vmem>> -> memref<1x16x128xf32, #tpu.memory_space<vmem>>
      %dma_start3A_415 = tpu.memref_squeeze %dma_start3A_414 : memref<1x16x128xf32, #tpu.memory_space<vmem>> -> memref<16x128xf32, #tpu.memory_space<vmem>>
      %dma_start3A_416 = arith.constant 0 : i32
      %dma_start3A_417 = tpu.memref_slice %arg4[%dma_start3A_416, %multiple_of3A_407] : memref<16x1000000xf32, #tpu.memory_space<hbm>> -> memref<16x128xf32, #tpu.memory_space<hbm>>
      %dma_start3A_418 = arith.constant 0 : i32
      %dma_start3A_419 = arith.constant 0 : i32
      %dma_start3A_420 = tpu.memref_slice %arg11[%dma_start3A_411, %dma_start3A_418, %dma_start3A_419] : memref<16x16x128xf32, #tpu.memory_space<vmem>> -> memref<1x16x128xf32, #tpu.memory_space<vmem>>
      %dma_start3A_421 = tpu.memref_squeeze %dma_start3A_420 : memref<1x16x128xf32, #tpu.memory_space<vmem>> -> memref<16x128xf32, #tpu.memory_space<vmem>>
      %dma_start3A_422 = arith.constant 0 : i32
      %dma_start3A_423 = tpu.memref_slice %arg4[%dma_start3A_422, %multiple_of3A_407] : memref<16x1000000xf32, #tpu.memory_space<hbm>> -> memref<16x128xf32, #tpu.memory_space<hbm>>
      tpu.enqueue_dma source(%dma_start3A_423 : memref<16x128xf32, #tpu.memory_space<hbm>>) target(%dma_start3A_421 : memref<16x128xf32, #tpu.memory_space<vmem>>) target_semaphore(%arg16 : memref<!tpu.dma_semaphore, #tpu.memory_space<semaphore_mem>>)
      %dma_start3A_424 = arith.constant 6 : i32
      %dma_start3A_425 = arith.constant 0 : i32
      %dma_start3A_426 = arith.constant 0 : i32
      %dma_start3A_427 = tpu.memref_slice %arg12[%dma_start3A_424, %dma_start3A_425, %dma_start3A_426] : memref<16x16x128xf32, #tpu.memory_space<vmem>> -> memref<1x16x128xf32, #tpu.memory_space<vmem>>
      %dma_start3A_428 = tpu.memref_squeeze %dma_start3A_427 : memref<1x16x128xf32, #tpu.memory_space<vmem>> -> memref<16x128xf32, #tpu.memory_space<vmem>>
      %dma_start3A_429 = arith.constant 0 : i32
      %dma_start3A_430 = tpu.memref_slice %arg5[%dma_start3A_429, %multiple_of3A_410] : memref<16x1000000xf32, #tpu.memory_space<hbm>> -> memref<16x128xf32, #tpu.memory_space<hbm>>
      %dma_start3A_431 = arith.constant 0 : i32
      %dma_start3A_432 = arith.constant 0 : i32
      %dma_start3A_433 = tpu.memref_slice %arg12[%dma_start3A_424, %dma_start3A_431, %dma_start3A_432] : memref<16x16x128xf32, #tpu.memory_space<vmem>> -> memref<1x16x128xf32, #tpu.memory_space<vmem>>
      %dma_start3A_434 = tpu.memref_squeeze %dma_start3A_433 : memref<1x16x128xf32, #tpu.memory_space<vmem>> -> memref<16x128xf32, #tpu.memory_space<vmem>>
      %dma_start3A_435 = arith.constant 0 : i32
      %dma_start3A_436 = tpu.memref_slice %arg5[%dma_start3A_435, %multiple_of3A_410] : memref<16x1000000xf32, #tpu.memory_space<hbm>> -> memref<16x128xf32, #tpu.memory_space<hbm>>
      tpu.enqueue_dma source(%dma_start3A_436 : memref<16x128xf32, #tpu.memory_space<hbm>>) target(%dma_start3A_434 : memref<16x128xf32, #tpu.memory_space<vmem>>) target_semaphore(%arg16 : memref<!tpu.dma_semaphore, #tpu.memory_space<semaphore_mem>>)
      %slice3A_437 = vector.extract_strided_slice %shift_left3A_210 {offsets = [7], sizes = [1], strides = [1]} : vector<16xi32> to vector<1xi32>
      %squeeze3A_438 = vector.extract %slice3A_437[0] : i32 from vector<1xi32>
      %multiple_of3A_439 = tpu.assume_multiple %squeeze3A_438, 128 : i32
      %slice3A_440 = vector.extract_strided_slice %shift_left3A_216 {offsets = [7], sizes = [1], strides = [1]} : vector<16xi32> to vector<1xi32>
      %squeeze3A_441 = vector.extract %slice3A_440[0] : i32 from vector<1xi32>
      %multiple_of3A_442 = tpu.assume_multiple %squeeze3A_441, 128 : i32
      %dma_start3A_443 = arith.constant 7 : i32
      %dma_start3A_444 = arith.constant 0 : i32
      %dma_start3A_445 = arith.constant 0 : i32
      %dma_start3A_446 = tpu.memref_slice %arg11[%dma_start3A_443, %dma_start3A_444, %dma_start3A_445] : memref<16x16x128xf32, #tpu.memory_space<vmem>> -> memref<1x16x128xf32, #tpu.memory_space<vmem>>
      %dma_start3A_447 = tpu.memref_squeeze %dma_start3A_446 : memref<1x16x128xf32, #tpu.memory_space<vmem>> -> memref<16x128xf32, #tpu.memory_space<vmem>>
      %dma_start3A_448 = arith.constant 0 : i32
      %dma_start3A_449 = tpu.memref_slice %arg4[%dma_start3A_448, %multiple_of3A_439] : memref<16x1000000xf32, #tpu.memory_space<hbm>> -> memref<16x128xf32, #tpu.memory_space<hbm>>
      %dma_start3A_450 = arith.constant 0 : i32
      %dma_start3A_451 = arith.constant 0 : i32
      %dma_start3A_452 = tpu.memref_slice %arg11[%dma_start3A_443, %dma_start3A_450, %dma_start3A_451] : memref<16x16x128xf32, #tpu.memory_space<vmem>> -> memref<1x16x128xf32, #tpu.memory_space<vmem>>
      %dma_start3A_453 = tpu.memref_squeeze %dma_start3A_452 : memref<1x16x128xf32, #tpu.memory_space<vmem>> -> memref<16x128xf32, #tpu.memory_space<vmem>>
      %dma_start3A_454 = arith.constant 0 : i32
      %dma_start3A_455 = tpu.memref_slice %arg4[%dma_start3A_454, %multiple_of3A_439] : memref<16x1000000xf32, #tpu.memory_space<hbm>> -> memref<16x128xf32, #tpu.memory_space<hbm>>
      tpu.enqueue_dma source(%dma_start3A_455 : memref<16x128xf32, #tpu.memory_space<hbm>>) target(%dma_start3A_453 : memref<16x128xf32, #tpu.memory_space<vmem>>) target_semaphore(%arg16 : memref<!tpu.dma_semaphore, #tpu.memory_space<semaphore_mem>>)
      %dma_start3A_456 = arith.constant 7 : i32
      %dma_start3A_457 = arith.constant 0 : i32
      %dma_start3A_458 = arith.constant 0 : i32
      %dma_start3A_459 = tpu.memref_slice %arg12[%dma_start3A_456, %dma_start3A_457, %dma_start3A_458] : memref<16x16x128xf32, #tpu.memory_space<vmem>> -> memref<1x16x128xf32, #tpu.memory_space<vmem>>
      %dma_start3A_460 = tpu.memref_squeeze %dma_start3A_459 : memref<1x16x128xf32, #tpu.memory_space<vmem>> -> memref<16x128xf32, #tpu.memory_space<vmem>>
      %dma_start3A_461 = arith.constant 0 : i32
      %dma_start3A_462 = tpu.memref_slice %arg5[%dma_start3A_461, %multiple_of3A_442] : memref<16x1000000xf32, #tpu.memory_space<hbm>> -> memref<16x128xf32, #tpu.memory_space<hbm>>
      %dma_start3A_463 = arith.constant 0 : i32
      %dma_start3A_464 = arith.constant 0 : i32
      %dma_start3A_465 = tpu.memref_slice %arg12[%dma_start3A_456, %dma_start3A_463, %dma_start3A_464] : memref<16x16x128xf32, #tpu.memory_space<vmem>> -> memref<1x16x128xf32, #tpu.memory_space<vmem>>
      %dma_start3A_466 = tpu.memref_squeeze %dma_start3A_465 : memref<1x16x128xf32, #tpu.memory_space<vmem>> -> memref<16x128xf32, #tpu.memory_space<vmem>>
      %dma_start3A_467 = arith.constant 0 : i32
      %dma_start3A_468 = tpu.memref_slice %arg5[%dma_start3A_467, %multiple_of3A_442] : memref<16x1000000xf32, #tpu.memory_space<hbm>> -> memref<16x128xf32, #tpu.memory_space<hbm>>
      tpu.enqueue_dma source(%dma_start3A_468 : memref<16x128xf32, #tpu.memory_space<hbm>>) target(%dma_start3A_466 : memref<16x128xf32, #tpu.memory_space<vmem>>) target_semaphore(%arg16 : memref<!tpu.dma_semaphore, #tpu.memory_space<semaphore_mem>>)
      %slice3A_469 = vector.extract_strided_slice %shift_left3A_210 {offsets = [8], sizes = [1], strides = [1]} : vector<16xi32> to vector<1xi32>
      %squeeze3A_470 = vector.extract %slice3A_469[0] : i32 from vector<1xi32>
      %multiple_of3A_471 = tpu.assume_multiple %squeeze3A_470, 128 : i32
      %slice3A_472 = vector.extract_strided_slice %shift_left3A_216 {offsets = [8], sizes = [1], strides = [1]} : vector<16xi32> to vector<1xi32>
      %squeeze3A_473 = vector.extract %slice3A_472[0] : i32 from vector<1xi32>
      %multiple_of3A_474 = tpu.assume_multiple %squeeze3A_473, 128 : i32
      %dma_start3A_475 = arith.constant 8 : i32
      %dma_start3A_476 = arith.constant 0 : i32
      %dma_start3A_477 = arith.constant 0 : i32
      %dma_start3A_478 = tpu.memref_slice %arg11[%dma_start3A_475, %dma_start3A_476, %dma_start3A_477] : memref<16x16x128xf32, #tpu.memory_space<vmem>> -> memref<1x16x128xf32, #tpu.memory_space<vmem>>
      %dma_start3A_479 = tpu.memref_squeeze %dma_start3A_478 : memref<1x16x128xf32, #tpu.memory_space<vmem>> -> memref<16x128xf32, #tpu.memory_space<vmem>>
      %dma_start3A_480 = arith.constant 0 : i32
      %dma_start3A_481 = tpu.memref_slice %arg4[%dma_start3A_480, %multiple_of3A_471] : memref<16x1000000xf32, #tpu.memory_space<hbm>> -> memref<16x128xf32, #tpu.memory_space<hbm>>
      %dma_start3A_482 = arith.constant 0 : i32
      %dma_start3A_483 = arith.constant 0 : i32
      %dma_start3A_484 = tpu.memref_slice %arg11[%dma_start3A_475, %dma_start3A_482, %dma_start3A_483] : memref<16x16x128xf32, #tpu.memory_space<vmem>> -> memref<1x16x128xf32, #tpu.memory_space<vmem>>
      %dma_start3A_485 = tpu.memref_squeeze %dma_start3A_484 : memref<1x16x128xf32, #tpu.memory_space<vmem>> -> memref<16x128xf32, #tpu.memory_space<vmem>>
      %dma_start3A_486 = arith.constant 0 : i32
      %dma_start3A_487 = tpu.memref_slice %arg4[%dma_start3A_486, %multiple_of3A_471] : memref<16x1000000xf32, #tpu.memory_space<hbm>> -> memref<16x128xf32, #tpu.memory_space<hbm>>
      tpu.enqueue_dma source(%dma_start3A_487 : memref<16x128xf32, #tpu.memory_space<hbm>>) target(%dma_start3A_485 : memref<16x128xf32, #tpu.memory_space<vmem>>) target_semaphore(%arg16 : memref<!tpu.dma_semaphore, #tpu.memory_space<semaphore_mem>>)
      %dma_start3A_488 = arith.constant 8 : i32
      %dma_start3A_489 = arith.constant 0 : i32
      %dma_start3A_490 = arith.constant 0 : i32
      %dma_start3A_491 = tpu.memref_slice %arg12[%dma_start3A_488, %dma_start3A_489, %dma_start3A_490] : memref<16x16x128xf32, #tpu.memory_space<vmem>> -> memref<1x16x128xf32, #tpu.memory_space<vmem>>
      %dma_start3A_492 = tpu.memref_squeeze %dma_start3A_491 : memref<1x16x128xf32, #tpu.memory_space<vmem>> -> memref<16x128xf32, #tpu.memory_space<vmem>>
      %dma_start3A_493 = arith.constant 0 : i32
      %dma_start3A_494 = tpu.memref_slice %arg5[%dma_start3A_493, %multiple_of3A_474] : memref<16x1000000xf32, #tpu.memory_space<hbm>> -> memref<16x128xf32, #tpu.memory_space<hbm>>
      %dma_start3A_495 = arith.constant 0 : i32
      %dma_start3A_496 = arith.constant 0 : i32
      %dma_start3A_497 = tpu.memref_slice %arg12[%dma_start3A_488, %dma_start3A_495, %dma_start3A_496] : memref<16x16x128xf32, #tpu.memory_space<vmem>> -> memref<1x16x128xf32, #tpu.memory_space<vmem>>
      %dma_start3A_498 = tpu.memref_squeeze %dma_start3A_497 : memref<1x16x128xf32, #tpu.memory_space<vmem>> -> memref<16x128xf32, #tpu.memory_space<vmem>>
      %dma_start3A_499 = arith.constant 0 : i32
      %dma_start3A_500 = tpu.memref_slice %arg5[%dma_start3A_499, %multiple_of3A_474] : memref<16x1000000xf32, #tpu.memory_space<hbm>> -> memref<16x128xf32, #tpu.memory_space<hbm>>
      tpu.enqueue_dma source(%dma_start3A_500 : memref<16x128xf32, #tpu.memory_space<hbm>>) target(%dma_start3A_498 : memref<16x128xf32, #tpu.memory_space<vmem>>) target_semaphore(%arg16 : memref<!tpu.dma_semaphore, #tpu.memory_space<semaphore_mem>>)
      %slice3A_501 = vector.extract_strided_slice %shift_left3A_210 {offsets = [9], sizes = [1], strides = [1]} : vector<16xi32> to vector<1xi32>
      %squeeze3A_502 = vector.extract %slice3A_501[0] : i32 from vector<1xi32>
      %multiple_of3A_503 = tpu.assume_multiple %squeeze3A_502, 128 : i32
      %slice3A_504 = vector.extract_strided_slice %shift_left3A_216 {offsets = [9], sizes = [1], strides = [1]} : vector<16xi32> to vector<1xi32>
      %squeeze3A_505 = vector.extract %slice3A_504[0] : i32 from vector<1xi32>
      %multiple_of3A_506 = tpu.assume_multiple %squeeze3A_505, 128 : i32
      %dma_start3A_507 = arith.constant 9 : i32
      %dma_start3A_508 = arith.constant 0 : i32
      %dma_start3A_509 = arith.constant 0 : i32
      %dma_start3A_510 = tpu.memref_slice %arg11[%dma_start3A_507, %dma_start3A_508, %dma_start3A_509] : memref<16x16x128xf32, #tpu.memory_space<vmem>> -> memref<1x16x128xf32, #tpu.memory_space<vmem>>
      %dma_start3A_511 = tpu.memref_squeeze %dma_start3A_510 : memref<1x16x128xf32, #tpu.memory_space<vmem>> -> memref<16x128xf32, #tpu.memory_space<vmem>>
      %dma_start3A_512 = arith.constant 0 : i32
      %dma_start3A_513 = tpu.memref_slice %arg4[%dma_start3A_512, %multiple_of3A_503] : memref<16x1000000xf32, #tpu.memory_space<hbm>> -> memref<16x128xf32, #tpu.memory_space<hbm>>
      %dma_start3A_514 = arith.constant 0 : i32
      %dma_start3A_515 = arith.constant 0 : i32
      %dma_start3A_516 = tpu.memref_slice %arg11[%dma_start3A_507, %dma_start3A_514, %dma_start3A_515] : memref<16x16x128xf32, #tpu.memory_space<vmem>> -> memref<1x16x128xf32, #tpu.memory_space<vmem>>
      %dma_start3A_517 = tpu.memref_squeeze %dma_start3A_516 : memref<1x16x128xf32, #tpu.memory_space<vmem>> -> memref<16x128xf32, #tpu.memory_space<vmem>>
      %dma_start3A_518 = arith.constant 0 : i32
      %dma_start3A_519 = tpu.memref_slice %arg4[%dma_start3A_518, %multiple_of3A_503] : memref<16x1000000xf32, #tpu.memory_space<hbm>> -> memref<16x128xf32, #tpu.memory_space<hbm>>
      tpu.enqueue_dma source(%dma_start3A_519 : memref<16x128xf32, #tpu.memory_space<hbm>>) target(%dma_start3A_517 : memref<16x128xf32, #tpu.memory_space<vmem>>) target_semaphore(%arg16 : memref<!tpu.dma_semaphore, #tpu.memory_space<semaphore_mem>>)
      %dma_start3A_520 = arith.constant 9 : i32
      %dma_start3A_521 = arith.constant 0 : i32
      %dma_start3A_522 = arith.constant 0 : i32
      %dma_start3A_523 = tpu.memref_slice %arg12[%dma_start3A_520, %dma_start3A_521, %dma_start3A_522] : memref<16x16x128xf32, #tpu.memory_space<vmem>> -> memref<1x16x128xf32, #tpu.memory_space<vmem>>
      %dma_start3A_524 = tpu.memref_squeeze %dma_start3A_523 : memref<1x16x128xf32, #tpu.memory_space<vmem>> -> memref<16x128xf32, #tpu.memory_space<vmem>>
      %dma_start3A_525 = arith.constant 0 : i32
      %dma_start3A_526 = tpu.memref_slice %arg5[%dma_start3A_525, %multiple_of3A_506] : memref<16x1000000xf32, #tpu.memory_space<hbm>> -> memref<16x128xf32, #tpu.memory_space<hbm>>
      %dma_start3A_527 = arith.constant 0 : i32
      %dma_start3A_528 = arith.constant 0 : i32
      %dma_start3A_529 = tpu.memref_slice %arg12[%dma_start3A_520, %dma_start3A_527, %dma_start3A_528] : memref<16x16x128xf32, #tpu.memory_space<vmem>> -> memref<1x16x128xf32, #tpu.memory_space<vmem>>
      %dma_start3A_530 = tpu.memref_squeeze %dma_start3A_529 : memref<1x16x128xf32, #tpu.memory_space<vmem>> -> memref<16x128xf32, #tpu.memory_space<vmem>>
      %dma_start3A_531 = arith.constant 0 : i32
      %dma_start3A_532 = tpu.memref_slice %arg5[%dma_start3A_531, %multiple_of3A_506] : memref<16x1000000xf32, #tpu.memory_space<hbm>> -> memref<16x128xf32, #tpu.memory_space<hbm>>
      tpu.enqueue_dma source(%dma_start3A_532 : memref<16x128xf32, #tpu.memory_space<hbm>>) target(%dma_start3A_530 : memref<16x128xf32, #tpu.memory_space<vmem>>) target_semaphore(%arg16 : memref<!tpu.dma_semaphore, #tpu.memory_space<semaphore_mem>>)
      %slice3A_533 = vector.extract_strided_slice %shift_left3A_210 {offsets = [10], sizes = [1], strides = [1]} : vector<16xi32> to vector<1xi32>
      %squeeze3A_534 = vector.extract %slice3A_533[0] : i32 from vector<1xi32>
      %multiple_of3A_535 = tpu.assume_multiple %squeeze3A_534, 128 : i32
      %slice3A_536 = vector.extract_strided_slice %shift_left3A_216 {offsets = [10], sizes = [1], strides = [1]} : vector<16xi32> to vector<1xi32>
      %squeeze3A_537 = vector.extract %slice3A_536[0] : i32 from vector<1xi32>
      %multiple_of3A_538 = tpu.assume_multiple %squeeze3A_537, 128 : i32
      %dma_start3A_539 = arith.constant 10 : i32
      %dma_start3A_540 = arith.constant 0 : i32
      %dma_start3A_541 = arith.constant 0 : i32
      %dma_start3A_542 = tpu.memref_slice %arg11[%dma_start3A_539, %dma_start3A_540, %dma_start3A_541] : memref<16x16x128xf32, #tpu.memory_space<vmem>> -> memref<1x16x128xf32, #tpu.memory_space<vmem>>
      %dma_start3A_543 = tpu.memref_squeeze %dma_start3A_542 : memref<1x16x128xf32, #tpu.memory_space<vmem>> -> memref<16x128xf32, #tpu.memory_space<vmem>>
      %dma_start3A_544 = arith.constant 0 : i32
      %dma_start3A_545 = tpu.memref_slice %arg4[%dma_start3A_544, %multiple_of3A_535] : memref<16x1000000xf32, #tpu.memory_space<hbm>> -> memref<16x128xf32, #tpu.memory_space<hbm>>
      %dma_start3A_546 = arith.constant 0 : i32
      %dma_start3A_547 = arith.constant 0 : i32
      %dma_start3A_548 = tpu.memref_slice %arg11[%dma_start3A_539, %dma_start3A_546, %dma_start3A_547] : memref<16x16x128xf32, #tpu.memory_space<vmem>> -> memref<1x16x128xf32, #tpu.memory_space<vmem>>
      %dma_start3A_549 = tpu.memref_squeeze %dma_start3A_548 : memref<1x16x128xf32, #tpu.memory_space<vmem>> -> memref<16x128xf32, #tpu.memory_space<vmem>>
      %dma_start3A_550 = arith.constant 0 : i32
      %dma_start3A_551 = tpu.memref_slice %arg4[%dma_start3A_550, %multiple_of3A_535] : memref<16x1000000xf32, #tpu.memory_space<hbm>> -> memref<16x128xf32, #tpu.memory_space<hbm>>
      tpu.enqueue_dma source(%dma_start3A_551 : memref<16x128xf32, #tpu.memory_space<hbm>>) target(%dma_start3A_549 : memref<16x128xf32, #tpu.memory_space<vmem>>) target_semaphore(%arg16 : memref<!tpu.dma_semaphore, #tpu.memory_space<semaphore_mem>>)
      %dma_start3A_552 = arith.constant 10 : i32
      %dma_start3A_553 = arith.constant 0 : i32
      %dma_start3A_554 = arith.constant 0 : i32
      %dma_start3A_555 = tpu.memref_slice %arg12[%dma_start3A_552, %dma_start3A_553, %dma_start3A_554] : memref<16x16x128xf32, #tpu.memory_space<vmem>> -> memref<1x16x128xf32, #tpu.memory_space<vmem>>
      %dma_start3A_556 = tpu.memref_squeeze %dma_start3A_555 : memref<1x16x128xf32, #tpu.memory_space<vmem>> -> memref<16x128xf32, #tpu.memory_space<vmem>>
      %dma_start3A_557 = arith.constant 0 : i32
      %dma_start3A_558 = tpu.memref_slice %arg5[%dma_start3A_557, %multiple_of3A_538] : memref<16x1000000xf32, #tpu.memory_space<hbm>> -> memref<16x128xf32, #tpu.memory_space<hbm>>
      %dma_start3A_559 = arith.constant 0 : i32
      %dma_start3A_560 = arith.constant 0 : i32
      %dma_start3A_561 = tpu.memref_slice %arg12[%dma_start3A_552, %dma_start3A_559, %dma_start3A_560] : memref<16x16x128xf32, #tpu.memory_space<vmem>> -> memref<1x16x128xf32, #tpu.memory_space<vmem>>
      %dma_start3A_562 = tpu.memref_squeeze %dma_start3A_561 : memref<1x16x128xf32, #tpu.memory_space<vmem>> -> memref<16x128xf32, #tpu.memory_space<vmem>>
      %dma_start3A_563 = arith.constant 0 : i32
      %dma_start3A_564 = tpu.memref_slice %arg5[%dma_start3A_563, %multiple_of3A_538] : memref<16x1000000xf32, #tpu.memory_space<hbm>> -> memref<16x128xf32, #tpu.memory_space<hbm>>
      tpu.enqueue_dma source(%dma_start3A_564 : memref<16x128xf32, #tpu.memory_space<hbm>>) target(%dma_start3A_562 : memref<16x128xf32, #tpu.memory_space<vmem>>) target_semaphore(%arg16 : memref<!tpu.dma_semaphore, #tpu.memory_space<semaphore_mem>>)
      %slice3A_565 = vector.extract_strided_slice %shift_left3A_210 {offsets = [11], sizes = [1], strides = [1]} : vector<16xi32> to vector<1xi32>
      %squeeze3A_566 = vector.extract %slice3A_565[0] : i32 from vector<1xi32>
      %multiple_of3A_567 = tpu.assume_multiple %squeeze3A_566, 128 : i32
      %slice3A_568 = vector.extract_strided_slice %shift_left3A_216 {offsets = [11], sizes = [1], strides = [1]} : vector<16xi32> to vector<1xi32>
      %squeeze3A_569 = vector.extract %slice3A_568[0] : i32 from vector<1xi32>
      %multiple_of3A_570 = tpu.assume_multiple %squeeze3A_569, 128 : i32
      %dma_start3A_571 = arith.constant 11 : i32
      %dma_start3A_572 = arith.constant 0 : i32
      %dma_start3A_573 = arith.constant 0 : i32
      %dma_start3A_574 = tpu.memref_slice %arg11[%dma_start3A_571, %dma_start3A_572, %dma_start3A_573] : memref<16x16x128xf32, #tpu.memory_space<vmem>> -> memref<1x16x128xf32, #tpu.memory_space<vmem>>
      %dma_start3A_575 = tpu.memref_squeeze %dma_start3A_574 : memref<1x16x128xf32, #tpu.memory_space<vmem>> -> memref<16x128xf32, #tpu.memory_space<vmem>>
      %dma_start3A_576 = arith.constant 0 : i32
      %dma_start3A_577 = tpu.memref_slice %arg4[%dma_start3A_576, %multiple_of3A_567] : memref<16x1000000xf32, #tpu.memory_space<hbm>> -> memref<16x128xf32, #tpu.memory_space<hbm>>
      %dma_start3A_578 = arith.constant 0 : i32
      %dma_start3A_579 = arith.constant 0 : i32
      %dma_start3A_580 = tpu.memref_slice %arg11[%dma_start3A_571, %dma_start3A_578, %dma_start3A_579] : memref<16x16x128xf32, #tpu.memory_space<vmem>> -> memref<1x16x128xf32, #tpu.memory_space<vmem>>
      %dma_start3A_581 = tpu.memref_squeeze %dma_start3A_580 : memref<1x16x128xf32, #tpu.memory_space<vmem>> -> memref<16x128xf32, #tpu.memory_space<vmem>>
      %dma_start3A_582 = arith.constant 0 : i32
      %dma_start3A_583 = tpu.memref_slice %arg4[%dma_start3A_582, %multiple_of3A_567] : memref<16x1000000xf32, #tpu.memory_space<hbm>> -> memref<16x128xf32, #tpu.memory_space<hbm>>
      tpu.enqueue_dma source(%dma_start3A_583 : memref<16x128xf32, #tpu.memory_space<hbm>>) target(%dma_start3A_581 : memref<16x128xf32, #tpu.memory_space<vmem>>) target_semaphore(%arg16 : memref<!tpu.dma_semaphore, #tpu.memory_space<semaphore_mem>>)
      %dma_start3A_584 = arith.constant 11 : i32
      %dma_start3A_585 = arith.constant 0 : i32
      %dma_start3A_586 = arith.constant 0 : i32
      %dma_start3A_587 = tpu.memref_slice %arg12[%dma_start3A_584, %dma_start3A_585, %dma_start3A_586] : memref<16x16x128xf32, #tpu.memory_space<vmem>> -> memref<1x16x128xf32, #tpu.memory_space<vmem>>
      %dma_start3A_588 = tpu.memref_squeeze %dma_start3A_587 : memref<1x16x128xf32, #tpu.memory_space<vmem>> -> memref<16x128xf32, #tpu.memory_space<vmem>>
      %dma_start3A_589 = arith.constant 0 : i32
      %dma_start3A_590 = tpu.memref_slice %arg5[%dma_start3A_589, %multiple_of3A_570] : memref<16x1000000xf32, #tpu.memory_space<hbm>> -> memref<16x128xf32, #tpu.memory_space<hbm>>
      %dma_start3A_591 = arith.constant 0 : i32
      %dma_start3A_592 = arith.constant 0 : i32
      %dma_start3A_593 = tpu.memref_slice %arg12[%dma_start3A_584, %dma_start3A_591, %dma_start3A_592] : memref<16x16x128xf32, #tpu.memory_space<vmem>> -> memref<1x16x128xf32, #tpu.memory_space<vmem>>
      %dma_start3A_594 = tpu.memref_squeeze %dma_start3A_593 : memref<1x16x128xf32, #tpu.memory_space<vmem>> -> memref<16x128xf32, #tpu.memory_space<vmem>>
      %dma_start3A_595 = arith.constant 0 : i32
      %dma_start3A_596 = tpu.memref_slice %arg5[%dma_start3A_595, %multiple_of3A_570] : memref<16x1000000xf32, #tpu.memory_space<hbm>> -> memref<16x128xf32, #tpu.memory_space<hbm>>
      tpu.enqueue_dma source(%dma_start3A_596 : memref<16x128xf32, #tpu.memory_space<hbm>>) target(%dma_start3A_594 : memref<16x128xf32, #tpu.memory_space<vmem>>) target_semaphore(%arg16 : memref<!tpu.dma_semaphore, #tpu.memory_space<semaphore_mem>>)
      %slice3A_597 = vector.extract_strided_slice %shift_left3A_210 {offsets = [12], sizes = [1], strides = [1]} : vector<16xi32> to vector<1xi32>
      %squeeze3A_598 = vector.extract %slice3A_597[0] : i32 from vector<1xi32>
      %multiple_of3A_599 = tpu.assume_multiple %squeeze3A_598, 128 : i32
      %slice3A_600 = vector.extract_strided_slice %shift_left3A_216 {offsets = [12], sizes = [1], strides = [1]} : vector<16xi32> to vector<1xi32>
      %squeeze3A_601 = vector.extract %slice3A_600[0] : i32 from vector<1xi32>
      %multiple_of3A_602 = tpu.assume_multiple %squeeze3A_601, 128 : i32
      %dma_start3A_603 = arith.constant 12 : i32
      %dma_start3A_604 = arith.constant 0 : i32
      %dma_start3A_605 = arith.constant 0 : i32
      %dma_start3A_606 = tpu.memref_slice %arg11[%dma_start3A_603, %dma_start3A_604, %dma_start3A_605] : memref<16x16x128xf32, #tpu.memory_space<vmem>> -> memref<1x16x128xf32, #tpu.memory_space<vmem>>
      %dma_start3A_607 = tpu.memref_squeeze %dma_start3A_606 : memref<1x16x128xf32, #tpu.memory_space<vmem>> -> memref<16x128xf32, #tpu.memory_space<vmem>>
      %dma_start3A_608 = arith.constant 0 : i32
      %dma_start3A_609 = tpu.memref_slice %arg4[%dma_start3A_608, %multiple_of3A_599] : memref<16x1000000xf32, #tpu.memory_space<hbm>> -> memref<16x128xf32, #tpu.memory_space<hbm>>
      %dma_start3A_610 = arith.constant 0 : i32
      %dma_start3A_611 = arith.constant 0 : i32
      %dma_start3A_612 = tpu.memref_slice %arg11[%dma_start3A_603, %dma_start3A_610, %dma_start3A_611] : memref<16x16x128xf32, #tpu.memory_space<vmem>> -> memref<1x16x128xf32, #tpu.memory_space<vmem>>
      %dma_start3A_613 = tpu.memref_squeeze %dma_start3A_612 : memref<1x16x128xf32, #tpu.memory_space<vmem>> -> memref<16x128xf32, #tpu.memory_space<vmem>>
      %dma_start3A_614 = arith.constant 0 : i32
      %dma_start3A_615 = tpu.memref_slice %arg4[%dma_start3A_614, %multiple_of3A_599] : memref<16x1000000xf32, #tpu.memory_space<hbm>> -> memref<16x128xf32, #tpu.memory_space<hbm>>
      tpu.enqueue_dma source(%dma_start3A_615 : memref<16x128xf32, #tpu.memory_space<hbm>>) target(%dma_start3A_613 : memref<16x128xf32, #tpu.memory_space<vmem>>) target_semaphore(%arg16 : memref<!tpu.dma_semaphore, #tpu.memory_space<semaphore_mem>>)
      %dma_start3A_616 = arith.constant 12 : i32
      %dma_start3A_617 = arith.constant 0 : i32
      %dma_start3A_618 = arith.constant 0 : i32
      %dma_start3A_619 = tpu.memref_slice %arg12[%dma_start3A_616, %dma_start3A_617, %dma_start3A_618] : memref<16x16x128xf32, #tpu.memory_space<vmem>> -> memref<1x16x128xf32, #tpu.memory_space<vmem>>
      %dma_start3A_620 = tpu.memref_squeeze %dma_start3A_619 : memref<1x16x128xf32, #tpu.memory_space<vmem>> -> memref<16x128xf32, #tpu.memory_space<vmem>>
      %dma_start3A_621 = arith.constant 0 : i32
      %dma_start3A_622 = tpu.memref_slice %arg5[%dma_start3A_621, %multiple_of3A_602] : memref<16x1000000xf32, #tpu.memory_space<hbm>> -> memref<16x128xf32, #tpu.memory_space<hbm>>
      %dma_start3A_623 = arith.constant 0 : i32
      %dma_start3A_624 = arith.constant 0 : i32
      %dma_start3A_625 = tpu.memref_slice %arg12[%dma_start3A_616, %dma_start3A_623, %dma_start3A_624] : memref<16x16x128xf32, #tpu.memory_space<vmem>> -> memref<1x16x128xf32, #tpu.memory_space<vmem>>
      %dma_start3A_626 = tpu.memref_squeeze %dma_start3A_625 : memref<1x16x128xf32, #tpu.memory_space<vmem>> -> memref<16x128xf32, #tpu.memory_space<vmem>>
      %dma_start3A_627 = arith.constant 0 : i32
      %dma_start3A_628 = tpu.memref_slice %arg5[%dma_start3A_627, %multiple_of3A_602] : memref<16x1000000xf32, #tpu.memory_space<hbm>> -> memref<16x128xf32, #tpu.memory_space<hbm>>
      tpu.enqueue_dma source(%dma_start3A_628 : memref<16x128xf32, #tpu.memory_space<hbm>>) target(%dma_start3A_626 : memref<16x128xf32, #tpu.memory_space<vmem>>) target_semaphore(%arg16 : memref<!tpu.dma_semaphore, #tpu.memory_space<semaphore_mem>>)
      %slice3A_629 = vector.extract_strided_slice %shift_left3A_210 {offsets = [13], sizes = [1], strides = [1]} : vector<16xi32> to vector<1xi32>
      %squeeze3A_630 = vector.extract %slice3A_629[0] : i32 from vector<1xi32>
      %multiple_of3A_631 = tpu.assume_multiple %squeeze3A_630, 128 : i32
      %slice3A_632 = vector.extract_strided_slice %shift_left3A_216 {offsets = [13], sizes = [1], strides = [1]} : vector<16xi32> to vector<1xi32>
      %squeeze3A_633 = vector.extract %slice3A_632[0] : i32 from vector<1xi32>
      %multiple_of3A_634 = tpu.assume_multiple %squeeze3A_633, 128 : i32
      %dma_start3A_635 = arith.constant 13 : i32
      %dma_start3A_636 = arith.constant 0 : i32
      %dma_start3A_637 = arith.constant 0 : i32
      %dma_start3A_638 = tpu.memref_slice %arg11[%dma_start3A_635, %dma_start3A_636, %dma_start3A_637] : memref<16x16x128xf32, #tpu.memory_space<vmem>> -> memref<1x16x128xf32, #tpu.memory_space<vmem>>
      %dma_start3A_639 = tpu.memref_squeeze %dma_start3A_638 : memref<1x16x128xf32, #tpu.memory_space<vmem>> -> memref<16x128xf32, #tpu.memory_space<vmem>>
      %dma_start3A_640 = arith.constant 0 : i32
      %dma_start3A_641 = tpu.memref_slice %arg4[%dma_start3A_640, %multiple_of3A_631] : memref<16x1000000xf32, #tpu.memory_space<hbm>> -> memref<16x128xf32, #tpu.memory_space<hbm>>
      %dma_start3A_642 = arith.constant 0 : i32
      %dma_start3A_643 = arith.constant 0 : i32
      %dma_start3A_644 = tpu.memref_slice %arg11[%dma_start3A_635, %dma_start3A_642, %dma_start3A_643] : memref<16x16x128xf32, #tpu.memory_space<vmem>> -> memref<1x16x128xf32, #tpu.memory_space<vmem>>
      %dma_start3A_645 = tpu.memref_squeeze %dma_start3A_644 : memref<1x16x128xf32, #tpu.memory_space<vmem>> -> memref<16x128xf32, #tpu.memory_space<vmem>>
      %dma_start3A_646 = arith.constant 0 : i32
      %dma_start3A_647 = tpu.memref_slice %arg4[%dma_start3A_646, %multiple_of3A_631] : memref<16x1000000xf32, #tpu.memory_space<hbm>> -> memref<16x128xf32, #tpu.memory_space<hbm>>
      tpu.enqueue_dma source(%dma_start3A_647 : memref<16x128xf32, #tpu.memory_space<hbm>>) target(%dma_start3A_645 : memref<16x128xf32, #tpu.memory_space<vmem>>) target_semaphore(%arg16 : memref<!tpu.dma_semaphore, #tpu.memory_space<semaphore_mem>>)
      %dma_start3A_648 = arith.constant 13 : i32
      %dma_start3A_649 = arith.constant 0 : i32
      %dma_start3A_650 = arith.constant 0 : i32
      %dma_start3A_651 = tpu.memref_slice %arg12[%dma_start3A_648, %dma_start3A_649, %dma_start3A_650] : memref<16x16x128xf32, #tpu.memory_space<vmem>> -> memref<1x16x128xf32, #tpu.memory_space<vmem>>
      %dma_start3A_652 = tpu.memref_squeeze %dma_start3A_651 : memref<1x16x128xf32, #tpu.memory_space<vmem>> -> memref<16x128xf32, #tpu.memory_space<vmem>>
      %dma_start3A_653 = arith.constant 0 : i32
      %dma_start3A_654 = tpu.memref_slice %arg5[%dma_start3A_653, %multiple_of3A_634] : memref<16x1000000xf32, #tpu.memory_space<hbm>> -> memref<16x128xf32, #tpu.memory_space<hbm>>
      %dma_start3A_655 = arith.constant 0 : i32
      %dma_start3A_656 = arith.constant 0 : i32
      %dma_start3A_657 = tpu.memref_slice %arg12[%dma_start3A_648, %dma_start3A_655, %dma_start3A_656] : memref<16x16x128xf32, #tpu.memory_space<vmem>> -> memref<1x16x128xf32, #tpu.memory_space<vmem>>
      %dma_start3A_658 = tpu.memref_squeeze %dma_start3A_657 : memref<1x16x128xf32, #tpu.memory_space<vmem>> -> memref<16x128xf32, #tpu.memory_space<vmem>>
      %dma_start3A_659 = arith.constant 0 : i32
      %dma_start3A_660 = tpu.memref_slice %arg5[%dma_start3A_659, %multiple_of3A_634] : memref<16x1000000xf32, #tpu.memory_space<hbm>> -> memref<16x128xf32, #tpu.memory_space<hbm>>
      tpu.enqueue_dma source(%dma_start3A_660 : memref<16x128xf32, #tpu.memory_space<hbm>>) target(%dma_start3A_658 : memref<16x128xf32, #tpu.memory_space<vmem>>) target_semaphore(%arg16 : memref<!tpu.dma_semaphore, #tpu.memory_space<semaphore_mem>>)
      %slice3A_661 = vector.extract_strided_slice %shift_left3A_210 {offsets = [14], sizes = [1], strides = [1]} : vector<16xi32> to vector<1xi32>
      %squeeze3A_662 = vector.extract %slice3A_661[0] : i32 from vector<1xi32>
      %multiple_of3A_663 = tpu.assume_multiple %squeeze3A_662, 128 : i32
      %slice3A_664 = vector.extract_strided_slice %shift_left3A_216 {offsets = [14], sizes = [1], strides = [1]} : vector<16xi32> to vector<1xi32>
      %squeeze3A_665 = vector.extract %slice3A_664[0] : i32 from vector<1xi32>
      %multiple_of3A_666 = tpu.assume_multiple %squeeze3A_665, 128 : i32
      %dma_start3A_667 = arith.constant 14 : i32
      %dma_start3A_668 = arith.constant 0 : i32
      %dma_start3A_669 = arith.constant 0 : i32
      %dma_start3A_670 = tpu.memref_slice %arg11[%dma_start3A_667, %dma_start3A_668, %dma_start3A_669] : memref<16x16x128xf32, #tpu.memory_space<vmem>> -> memref<1x16x128xf32, #tpu.memory_space<vmem>>
      %dma_start3A_671 = tpu.memref_squeeze %dma_start3A_670 : memref<1x16x128xf32, #tpu.memory_space<vmem>> -> memref<16x128xf32, #tpu.memory_space<vmem>>
      %dma_start3A_672 = arith.constant 0 : i32
      %dma_start3A_673 = tpu.memref_slice %arg4[%dma_start3A_672, %multiple_of3A_663] : memref<16x1000000xf32, #tpu.memory_space<hbm>> -> memref<16x128xf32, #tpu.memory_space<hbm>>
      %dma_start3A_674 = arith.constant 0 : i32
      %dma_start3A_675 = arith.constant 0 : i32
      %dma_start3A_676 = tpu.memref_slice %arg11[%dma_start3A_667, %dma_start3A_674, %dma_start3A_675] : memref<16x16x128xf32, #tpu.memory_space<vmem>> -> memref<1x16x128xf32, #tpu.memory_space<vmem>>
      %dma_start3A_677 = tpu.memref_squeeze %dma_start3A_676 : memref<1x16x128xf32, #tpu.memory_space<vmem>> -> memref<16x128xf32, #tpu.memory_space<vmem>>
      %dma_start3A_678 = arith.constant 0 : i32
      %dma_start3A_679 = tpu.memref_slice %arg4[%dma_start3A_678, %multiple_of3A_663] : memref<16x1000000xf32, #tpu.memory_space<hbm>> -> memref<16x128xf32, #tpu.memory_space<hbm>>
      tpu.enqueue_dma source(%dma_start3A_679 : memref<16x128xf32, #tpu.memory_space<hbm>>) target(%dma_start3A_677 : memref<16x128xf32, #tpu.memory_space<vmem>>) target_semaphore(%arg16 : memref<!tpu.dma_semaphore, #tpu.memory_space<semaphore_mem>>)
      %dma_start3A_680 = arith.constant 14 : i32
      %dma_start3A_681 = arith.constant 0 : i32
      %dma_start3A_682 = arith.constant 0 : i32
      %dma_start3A_683 = tpu.memref_slice %arg12[%dma_start3A_680, %dma_start3A_681, %dma_start3A_682] : memref<16x16x128xf32, #tpu.memory_space<vmem>> -> memref<1x16x128xf32, #tpu.memory_space<vmem>>
      %dma_start3A_684 = tpu.memref_squeeze %dma_start3A_683 : memref<1x16x128xf32, #tpu.memory_space<vmem>> -> memref<16x128xf32, #tpu.memory_space<vmem>>
      %dma_start3A_685 = arith.constant 0 : i32
      %dma_start3A_686 = tpu.memref_slice %arg5[%dma_start3A_685, %multiple_of3A_666] : memref<16x1000000xf32, #tpu.memory_space<hbm>> -> memref<16x128xf32, #tpu.memory_space<hbm>>
      %dma_start3A_687 = arith.constant 0 : i32
      %dma_start3A_688 = arith.constant 0 : i32
      %dma_start3A_689 = tpu.memref_slice %arg12[%dma_start3A_680, %dma_start3A_687, %dma_start3A_688] : memref<16x16x128xf32, #tpu.memory_space<vmem>> -> memref<1x16x128xf32, #tpu.memory_space<vmem>>
      %dma_start3A_690 = tpu.memref_squeeze %dma_start3A_689 : memref<1x16x128xf32, #tpu.memory_space<vmem>> -> memref<16x128xf32, #tpu.memory_space<vmem>>
      %dma_start3A_691 = arith.constant 0 : i32
      %dma_start3A_692 = tpu.memref_slice %arg5[%dma_start3A_691, %multiple_of3A_666] : memref<16x1000000xf32, #tpu.memory_space<hbm>> -> memref<16x128xf32, #tpu.memory_space<hbm>>
      tpu.enqueue_dma source(%dma_start3A_692 : memref<16x128xf32, #tpu.memory_space<hbm>>) target(%dma_start3A_690 : memref<16x128xf32, #tpu.memory_space<vmem>>) target_semaphore(%arg16 : memref<!tpu.dma_semaphore, #tpu.memory_space<semaphore_mem>>)
      %slice3A_693 = vector.extract_strided_slice %shift_left3A_210 {offsets = [15], sizes = [1], strides = [1]} : vector<16xi32> to vector<1xi32>
      %squeeze3A_694 = vector.extract %slice3A_693[0] : i32 from vector<1xi32>
      %multiple_of3A_695 = tpu.assume_multiple %squeeze3A_694, 128 : i32
      %slice3A_696 = vector.extract_strided_slice %shift_left3A_216 {offsets = [15], sizes = [1], strides = [1]} : vector<16xi32> to vector<1xi32>
      %squeeze3A_697 = vector.extract %slice3A_696[0] : i32 from vector<1xi32>
      %multiple_of3A_698 = tpu.assume_multiple %squeeze3A_697, 128 : i32
      %dma_start3A_699 = arith.constant 15 : i32
      %dma_start3A_700 = arith.constant 0 : i32
      %dma_start3A_701 = arith.constant 0 : i32
      %dma_start3A_702 = tpu.memref_slice %arg11[%dma_start3A_699, %dma_start3A_700, %dma_start3A_701] : memref<16x16x128xf32, #tpu.memory_space<vmem>> -> memref<1x16x128xf32, #tpu.memory_space<vmem>>
      %dma_start3A_703 = tpu.memref_squeeze %dma_start3A_702 : memref<1x16x128xf32, #tpu.memory_space<vmem>> -> memref<16x128xf32, #tpu.memory_space<vmem>>
      %dma_start3A_704 = arith.constant 0 : i32
      %dma_start3A_705 = tpu.memref_slice %arg4[%dma_start3A_704, %multiple_of3A_695] : memref<16x1000000xf32, #tpu.memory_space<hbm>> -> memref<16x128xf32, #tpu.memory_space<hbm>>
      %dma_start3A_706 = arith.constant 0 : i32
      %dma_start3A_707 = arith.constant 0 : i32
      %dma_start3A_708 = tpu.memref_slice %arg11[%dma_start3A_699, %dma_start3A_706, %dma_start3A_707] : memref<16x16x128xf32, #tpu.memory_space<vmem>> -> memref<1x16x128xf32, #tpu.memory_space<vmem>>
      %dma_start3A_709 = tpu.memref_squeeze %dma_start3A_708 : memref<1x16x128xf32, #tpu.memory_space<vmem>> -> memref<16x128xf32, #tpu.memory_space<vmem>>
      %dma_start3A_710 = arith.constant 0 : i32
      %dma_start3A_711 = tpu.memref_slice %arg4[%dma_start3A_710, %multiple_of3A_695] : memref<16x1000000xf32, #tpu.memory_space<hbm>> -> memref<16x128xf32, #tpu.memory_space<hbm>>
      tpu.enqueue_dma source(%dma_start3A_711 : memref<16x128xf32, #tpu.memory_space<hbm>>) target(%dma_start3A_709 : memref<16x128xf32, #tpu.memory_space<vmem>>) target_semaphore(%arg16 : memref<!tpu.dma_semaphore, #tpu.memory_space<semaphore_mem>>)
      %dma_start3A_712 = arith.constant 15 : i32
      %dma_start3A_713 = arith.constant 0 : i32
      %dma_start3A_714 = arith.constant 0 : i32
      %dma_start3A_715 = tpu.memref_slice %arg12[%dma_start3A_712, %dma_start3A_713, %dma_start3A_714] : memref<16x16x128xf32, #tpu.memory_space<vmem>> -> memref<1x16x128xf32, #tpu.memory_space<vmem>>
      %dma_start3A_716 = tpu.memref_squeeze %dma_start3A_715 : memref<1x16x128xf32, #tpu.memory_space<vmem>> -> memref<16x128xf32, #tpu.memory_space<vmem>>
      %dma_start3A_717 = arith.constant 0 : i32
      %dma_start3A_718 = tpu.memref_slice %arg5[%dma_start3A_717, %multiple_of3A_698] : memref<16x1000000xf32, #tpu.memory_space<hbm>> -> memref<16x128xf32, #tpu.memory_space<hbm>>
      %dma_start3A_719 = arith.constant 0 : i32
      %dma_start3A_720 = arith.constant 0 : i32
      %dma_start3A_721 = tpu.memref_slice %arg12[%dma_start3A_712, %dma_start3A_719, %dma_start3A_720] : memref<16x16x128xf32, #tpu.memory_space<vmem>> -> memref<1x16x128xf32, #tpu.memory_space<vmem>>
      %dma_start3A_722 = tpu.memref_squeeze %dma_start3A_721 : memref<1x16x128xf32, #tpu.memory_space<vmem>> -> memref<16x128xf32, #tpu.memory_space<vmem>>
      %dma_start3A_723 = arith.constant 0 : i32
      %dma_start3A_724 = tpu.memref_slice %arg5[%dma_start3A_723, %multiple_of3A_698] : memref<16x1000000xf32, #tpu.memory_space<hbm>> -> memref<16x128xf32, #tpu.memory_space<hbm>>
      tpu.enqueue_dma source(%dma_start3A_724 : memref<16x128xf32, #tpu.memory_space<hbm>>) target(%dma_start3A_722 : memref<16x128xf32, #tpu.memory_space<vmem>>) target_semaphore(%arg16 : memref<!tpu.dma_semaphore, #tpu.memory_space<semaphore_mem>>)
      %dma_wait3A = arith.constant 0 : i32
      %dma_wait3A_725 = arith.constant 0 : i32
      %dma_wait3A_726 = arith.constant 0 : i32
      %dma_wait3A_727 = tpu.memref_slice %arg11[%dma_wait3A, %dma_wait3A_725, %dma_wait3A_726] : memref<16x16x128xf32, #tpu.memory_space<vmem>> -> memref<1x16x128xf32, #tpu.memory_space<vmem>>
      %dma_wait3A_728 = tpu.memref_squeeze %dma_wait3A_727 : memref<1x16x128xf32, #tpu.memory_space<vmem>> -> memref<16x128xf32, #tpu.memory_space<vmem>>
      %dma_wait3A_729 = arith.constant 0 : i32
      %dma_wait3A_730 = arith.constant 0 : i32
      %dma_wait3A_731 = tpu.memref_slice %arg4[%dma_wait3A_729, %dma_wait3A_730] : memref<16x1000000xf32, #tpu.memory_space<hbm>> -> memref<16x128xf32, #tpu.memory_space<hbm>>
      %dma_wait3A_732 = arith.constant 0 : i32
      %dma_wait3A_733 = arith.constant 0 : i32
      %dma_wait3A_734 = tpu.memref_slice %arg11[%dma_wait3A, %dma_wait3A_732, %dma_wait3A_733] : memref<16x16x128xf32, #tpu.memory_space<vmem>> -> memref<1x16x128xf32, #tpu.memory_space<vmem>>
      %dma_wait3A_735 = tpu.memref_squeeze %dma_wait3A_734 : memref<1x16x128xf32, #tpu.memory_space<vmem>> -> memref<16x128xf32, #tpu.memory_space<vmem>>
      %dma_wait3A_736 = arith.constant 0 : i32
      %dma_wait3A_737 = arith.constant 0 : i32
      %dma_wait3A_738 = tpu.memref_slice %arg4[%dma_wait3A_736, %dma_wait3A_737] : memref<16x1000000xf32, #tpu.memory_space<hbm>> -> memref<16x128xf32, #tpu.memory_space<hbm>>
      tpu.wait_dma2 semaphore(%arg16 : memref<!tpu.dma_semaphore, #tpu.memory_space<semaphore_mem>>) src(%dma_wait3A_738 : memref<16x128xf32, #tpu.memory_space<hbm>>) dst(%dma_wait3A_735 : memref<16x128xf32, #tpu.memory_space<vmem>>)
      %dma_wait3A_739 = arith.constant 0 : i32
      %dma_wait3A_740 = arith.constant 0 : i32
      %dma_wait3A_741 = arith.constant 0 : i32
      %dma_wait3A_742 = tpu.memref_slice %arg12[%dma_wait3A_739, %dma_wait3A_740, %dma_wait3A_741] : memref<16x16x128xf32, #tpu.memory_space<vmem>> -> memref<1x16x128xf32, #tpu.memory_space<vmem>>
      %dma_wait3A_743 = tpu.memref_squeeze %dma_wait3A_742 : memref<1x16x128xf32, #tpu.memory_space<vmem>> -> memref<16x128xf32, #tpu.memory_space<vmem>>
      %dma_wait3A_744 = arith.constant 0 : i32
      %dma_wait3A_745 = arith.constant 0 : i32
      %dma_wait3A_746 = tpu.memref_slice %arg5[%dma_wait3A_744, %dma_wait3A_745] : memref<16x1000000xf32, #tpu.memory_space<hbm>> -> memref<16x128xf32, #tpu.memory_space<hbm>>
      %dma_wait3A_747 = arith.constant 0 : i32
      %dma_wait3A_748 = arith.constant 0 : i32
      %dma_wait3A_749 = tpu.memref_slice %arg12[%dma_wait3A_739, %dma_wait3A_747, %dma_wait3A_748] : memref<16x16x128xf32, #tpu.memory_space<vmem>> -> memref<1x16x128xf32, #tpu.memory_space<vmem>>
      %dma_wait3A_750 = tpu.memref_squeeze %dma_wait3A_749 : memref<1x16x128xf32, #tpu.memory_space<vmem>> -> memref<16x128xf32, #tpu.memory_space<vmem>>
      %dma_wait3A_751 = arith.constant 0 : i32
      %dma_wait3A_752 = arith.constant 0 : i32
      %dma_wait3A_753 = tpu.memref_slice %arg5[%dma_wait3A_751, %dma_wait3A_752] : memref<16x1000000xf32, #tpu.memory_space<hbm>> -> memref<16x128xf32, #tpu.memory_space<hbm>>
      tpu.wait_dma2 semaphore(%arg16 : memref<!tpu.dma_semaphore, #tpu.memory_space<semaphore_mem>>) src(%dma_wait3A_753 : memref<16x128xf32, #tpu.memory_space<hbm>>) dst(%dma_wait3A_750 : memref<16x128xf32, #tpu.memory_space<vmem>>)
      %dma_wait3A_754 = arith.constant 0 : i32
      %dma_wait3A_755 = arith.constant 0 : i32
      %dma_wait3A_756 = arith.constant 0 : i32
      %dma_wait3A_757 = tpu.memref_slice %arg11[%dma_wait3A_754, %dma_wait3A_755, %dma_wait3A_756] : memref<16x16x128xf32, #tpu.memory_space<vmem>> -> memref<1x16x128xf32, #tpu.memory_space<vmem>>
      %dma_wait3A_758 = tpu.memref_squeeze %dma_wait3A_757 : memref<1x16x128xf32, #tpu.memory_space<vmem>> -> memref<16x128xf32, #tpu.memory_space<vmem>>
      %dma_wait3A_759 = arith.constant 0 : i32
      %dma_wait3A_760 = arith.constant 0 : i32
      %dma_wait3A_761 = tpu.memref_slice %arg4[%dma_wait3A_759, %dma_wait3A_760] : memref<16x1000000xf32, #tpu.memory_space<hbm>> -> memref<16x128xf32, #tpu.memory_space<hbm>>
      %dma_wait3A_762 = arith.constant 0 : i32
      %dma_wait3A_763 = arith.constant 0 : i32
      %dma_wait3A_764 = tpu.memref_slice %arg11[%dma_wait3A_754, %dma_wait3A_762, %dma_wait3A_763] : memref<16x16x128xf32, #tpu.memory_space<vmem>> -> memref<1x16x128xf32, #tpu.memory_space<vmem>>
      %dma_wait3A_765 = tpu.memref_squeeze %dma_wait3A_764 : memref<1x16x128xf32, #tpu.memory_space<vmem>> -> memref<16x128xf32, #tpu.memory_space<vmem>>
      %dma_wait3A_766 = arith.constant 0 : i32
      %dma_wait3A_767 = arith.constant 0 : i32
      %dma_wait3A_768 = tpu.memref_slice %arg4[%dma_wait3A_766, %dma_wait3A_767] : memref<16x1000000xf32, #tpu.memory_space<hbm>> -> memref<16x128xf32, #tpu.memory_space<hbm>>
      tpu.wait_dma2 semaphore(%arg16 : memref<!tpu.dma_semaphore, #tpu.memory_space<semaphore_mem>>) src(%dma_wait3A_768 : memref<16x128xf32, #tpu.memory_space<hbm>>) dst(%dma_wait3A_765 : memref<16x128xf32, #tpu.memory_space<vmem>>)
      %dma_wait3A_769 = arith.constant 0 : i32
      %dma_wait3A_770 = arith.constant 0 : i32
      %dma_wait3A_771 = arith.constant 0 : i32
      %dma_wait3A_772 = tpu.memref_slice %arg12[%dma_wait3A_769, %dma_wait3A_770, %dma_wait3A_771] : memref<16x16x128xf32, #tpu.memory_space<vmem>> -> memref<1x16x128xf32, #tpu.memory_space<vmem>>
      %dma_wait3A_773 = tpu.memref_squeeze %dma_wait3A_772 : memref<1x16x128xf32, #tpu.memory_space<vmem>> -> memref<16x128xf32, #tpu.memory_space<vmem>>
      %dma_wait3A_774 = arith.constant 0 : i32
      %dma_wait3A_775 = arith.constant 0 : i32
      %dma_wait3A_776 = tpu.memref_slice %arg5[%dma_wait3A_774, %dma_wait3A_775] : memref<16x1000000xf32, #tpu.memory_space<hbm>> -> memref<16x128xf32, #tpu.memory_space<hbm>>
      %dma_wait3A_777 = arith.constant 0 : i32
      %dma_wait3A_778 = arith.constant 0 : i32
      %dma_wait3A_779 = tpu.memref_slice %arg12[%dma_wait3A_769, %dma_wait3A_777, %dma_wait3A_778] : memref<16x16x128xf32, #tpu.memory_space<vmem>> -> memref<1x16x128xf32, #tpu.memory_space<vmem>>
      %dma_wait3A_780 = tpu.memref_squeeze %dma_wait3A_779 : memref<1x16x128xf32, #tpu.memory_space<vmem>> -> memref<16x128xf32, #tpu.memory_space<vmem>>
      %dma_wait3A_781 = arith.constant 0 : i32
      %dma_wait3A_782 = arith.constant 0 : i32
      %dma_wait3A_783 = tpu.memref_slice %arg5[%dma_wait3A_781, %dma_wait3A_782] : memref<16x1000000xf32, #tpu.memory_space<hbm>> -> memref<16x128xf32, #tpu.memory_space<hbm>>
      tpu.wait_dma2 semaphore(%arg16 : memref<!tpu.dma_semaphore, #tpu.memory_space<semaphore_mem>>) src(%dma_wait3A_783 : memref<16x128xf32, #tpu.memory_space<hbm>>) dst(%dma_wait3A_780 : memref<16x128xf32, #tpu.memory_space<vmem>>)
      %dma_wait3A_784 = arith.constant 0 : i32
      %dma_wait3A_785 = arith.constant 0 : i32
      %dma_wait3A_786 = arith.constant 0 : i32
      %dma_wait3A_787 = tpu.memref_slice %arg11[%dma_wait3A_784, %dma_wait3A_785, %dma_wait3A_786] : memref<16x16x128xf32, #tpu.memory_space<vmem>> -> memref<1x16x128xf32, #tpu.memory_space<vmem>>
      %dma_wait3A_788 = tpu.memref_squeeze %dma_wait3A_787 : memref<1x16x128xf32, #tpu.memory_space<vmem>> -> memref<16x128xf32, #tpu.memory_space<vmem>>
      %dma_wait3A_789 = arith.constant 0 : i32
      %dma_wait3A_790 = arith.constant 0 : i32
      %dma_wait3A_791 = tpu.memref_slice %arg4[%dma_wait3A_789, %dma_wait3A_790] : memref<16x1000000xf32, #tpu.memory_space<hbm>> -> memref<16x128xf32, #tpu.memory_space<hbm>>
      %dma_wait3A_792 = arith.constant 0 : i32
      %dma_wait3A_793 = arith.constant 0 : i32
      %dma_wait3A_794 = tpu.memref_slice %arg11[%dma_wait3A_784, %dma_wait3A_792, %dma_wait3A_793] : memref<16x16x128xf32, #tpu.memory_space<vmem>> -> memref<1x16x128xf32, #tpu.memory_space<vmem>>
      %dma_wait3A_795 = tpu.memref_squeeze %dma_wait3A_794 : memref<1x16x128xf32, #tpu.memory_space<vmem>> -> memref<16x128xf32, #tpu.memory_space<vmem>>
      %dma_wait3A_796 = arith.constant 0 : i32
      %dma_wait3A_797 = arith.constant 0 : i32
      %dma_wait3A_798 = tpu.memref_slice %arg4[%dma_wait3A_796, %dma_wait3A_797] : memref<16x1000000xf32, #tpu.memory_space<hbm>> -> memref<16x128xf32, #tpu.memory_space<hbm>>
      tpu.wait_dma2 semaphore(%arg16 : memref<!tpu.dma_semaphore, #tpu.memory_space<semaphore_mem>>) src(%dma_wait3A_798 : memref<16x128xf32, #tpu.memory_space<hbm>>) dst(%dma_wait3A_795 : memref<16x128xf32, #tpu.memory_space<vmem>>)
      %dma_wait3A_799 = arith.constant 0 : i32
      %dma_wait3A_800 = arith.constant 0 : i32
      %dma_wait3A_801 = arith.constant 0 : i32
      %dma_wait3A_802 = tpu.memref_slice %arg12[%dma_wait3A_799, %dma_wait3A_800, %dma_wait3A_801] : memref<16x16x128xf32, #tpu.memory_space<vmem>> -> memref<1x16x128xf32, #tpu.memory_space<vmem>>
      %dma_wait3A_803 = tpu.memref_squeeze %dma_wait3A_802 : memref<1x16x128xf32, #tpu.memory_space<vmem>> -> memref<16x128xf32, #tpu.memory_space<vmem>>
      %dma_wait3A_804 = arith.constant 0 : i32
      %dma_wait3A_805 = arith.constant 0 : i32
      %dma_wait3A_806 = tpu.memref_slice %arg5[%dma_wait3A_804, %dma_wait3A_805] : memref<16x1000000xf32, #tpu.memory_space<hbm>> -> memref<16x128xf32, #tpu.memory_space<hbm>>
      %dma_wait3A_807 = arith.constant 0 : i32
      %dma_wait3A_808 = arith.constant 0 : i32
      %dma_wait3A_809 = tpu.memref_slice %arg12[%dma_wait3A_799, %dma_wait3A_807, %dma_wait3A_808] : memref<16x16x128xf32, #tpu.memory_space<vmem>> -> memref<1x16x128xf32, #tpu.memory_space<vmem>>
      %dma_wait3A_810 = tpu.memref_squeeze %dma_wait3A_809 : memref<1x16x128xf32, #tpu.memory_space<vmem>> -> memref<16x128xf32, #tpu.memory_space<vmem>>
      %dma_wait3A_811 = arith.constant 0 : i32
      %dma_wait3A_812 = arith.constant 0 : i32
      %dma_wait3A_813 = tpu.memref_slice %arg5[%dma_wait3A_811, %dma_wait3A_812] : memref<16x1000000xf32, #tpu.memory_space<hbm>> -> memref<16x128xf32, #tpu.memory_space<hbm>>
      tpu.wait_dma2 semaphore(%arg16 : memref<!tpu.dma_semaphore, #tpu.memory_space<semaphore_mem>>) src(%dma_wait3A_813 : memref<16x128xf32, #tpu.memory_space<hbm>>) dst(%dma_wait3A_810 : memref<16x128xf32, #tpu.memory_space<vmem>>)
      %dma_wait3A_814 = arith.constant 0 : i32
      %dma_wait3A_815 = arith.constant 0 : i32
      %dma_wait3A_816 = arith.constant 0 : i32
      %dma_wait3A_817 = tpu.memref_slice %arg11[%dma_wait3A_814, %dma_wait3A_815, %dma_wait3A_816] : memref<16x16x128xf32, #tpu.memory_space<vmem>> -> memref<1x16x128xf32, #tpu.memory_space<vmem>>
      %dma_wait3A_818 = tpu.memref_squeeze %dma_wait3A_817 : memref<1x16x128xf32, #tpu.memory_space<vmem>> -> memref<16x128xf32, #tpu.memory_space<vmem>>
      %dma_wait3A_819 = arith.constant 0 : i32
      %dma_wait3A_820 = arith.constant 0 : i32
      %dma_wait3A_821 = tpu.memref_slice %arg4[%dma_wait3A_819, %dma_wait3A_820] : memref<16x1000000xf32, #tpu.memory_space<hbm>> -> memref<16x128xf32, #tpu.memory_space<hbm>>
      %dma_wait3A_822 = arith.constant 0 : i32
      %dma_wait3A_823 = arith.constant 0 : i32
      %dma_wait3A_824 = tpu.memref_slice %arg11[%dma_wait3A_814, %dma_wait3A_822, %dma_wait3A_823] : memref<16x16x128xf32, #tpu.memory_space<vmem>> -> memref<1x16x128xf32, #tpu.memory_space<vmem>>
      %dma_wait3A_825 = tpu.memref_squeeze %dma_wait3A_824 : memref<1x16x128xf32, #tpu.memory_space<vmem>> -> memref<16x128xf32, #tpu.memory_space<vmem>>
      %dma_wait3A_826 = arith.constant 0 : i32
      %dma_wait3A_827 = arith.constant 0 : i32
      %dma_wait3A_828 = tpu.memref_slice %arg4[%dma_wait3A_826, %dma_wait3A_827] : memref<16x1000000xf32, #tpu.memory_space<hbm>> -> memref<16x128xf32, #tpu.memory_space<hbm>>
      tpu.wait_dma2 semaphore(%arg16 : memref<!tpu.dma_semaphore, #tpu.memory_space<semaphore_mem>>) src(%dma_wait3A_828 : memref<16x128xf32, #tpu.memory_space<hbm>>) dst(%dma_wait3A_825 : memref<16x128xf32, #tpu.memory_space<vmem>>)
      %dma_wait3A_829 = arith.constant 0 : i32
      %dma_wait3A_830 = arith.constant 0 : i32
      %dma_wait3A_831 = arith.constant 0 : i32
      %dma_wait3A_832 = tpu.memref_slice %arg12[%dma_wait3A_829, %dma_wait3A_830, %dma_wait3A_831] : memref<16x16x128xf32, #tpu.memory_space<vmem>> -> memref<1x16x128xf32, #tpu.memory_space<vmem>>
      %dma_wait3A_833 = tpu.memref_squeeze %dma_wait3A_832 : memref<1x16x128xf32, #tpu.memory_space<vmem>> -> memref<16x128xf32, #tpu.memory_space<vmem>>
      %dma_wait3A_834 = arith.constant 0 : i32
      %dma_wait3A_835 = arith.constant 0 : i32
      %dma_wait3A_836 = tpu.memref_slice %arg5[%dma_wait3A_834, %dma_wait3A_835] : memref<16x1000000xf32, #tpu.memory_space<hbm>> -> memref<16x128xf32, #tpu.memory_space<hbm>>
      %dma_wait3A_837 = arith.constant 0 : i32
      %dma_wait3A_838 = arith.constant 0 : i32
      %dma_wait3A_839 = tpu.memref_slice %arg12[%dma_wait3A_829, %dma_wait3A_837, %dma_wait3A_838] : memref<16x16x128xf32, #tpu.memory_space<vmem>> -> memref<1x16x128xf32, #tpu.memory_space<vmem>>
      %dma_wait3A_840 = tpu.memref_squeeze %dma_wait3A_839 : memref<1x16x128xf32, #tpu.memory_space<vmem>> -> memref<16x128xf32, #tpu.memory_space<vmem>>
      %dma_wait3A_841 = arith.constant 0 : i32
      %dma_wait3A_842 = arith.constant 0 : i32
      %dma_wait3A_843 = tpu.memref_slice %arg5[%dma_wait3A_841, %dma_wait3A_842] : memref<16x1000000xf32, #tpu.memory_space<hbm>> -> memref<16x128xf32, #tpu.memory_space<hbm>>
      tpu.wait_dma2 semaphore(%arg16 : memref<!tpu.dma_semaphore, #tpu.memory_space<semaphore_mem>>) src(%dma_wait3A_843 : memref<16x128xf32, #tpu.memory_space<hbm>>) dst(%dma_wait3A_840 : memref<16x128xf32, #tpu.memory_space<vmem>>)
      %dma_wait3A_844 = arith.constant 0 : i32
      %dma_wait3A_845 = arith.constant 0 : i32
      %dma_wait3A_846 = arith.constant 0 : i32
      %dma_wait3A_847 = tpu.memref_slice %arg11[%dma_wait3A_844, %dma_wait3A_845, %dma_wait3A_846] : memref<16x16x128xf32, #tpu.memory_space<vmem>> -> memref<1x16x128xf32, #tpu.memory_space<vmem>>
      %dma_wait3A_848 = tpu.memref_squeeze %dma_wait3A_847 : memref<1x16x128xf32, #tpu.memory_space<vmem>> -> memref<16x128xf32, #tpu.memory_space<vmem>>
      %dma_wait3A_849 = arith.constant 0 : i32
      %dma_wait3A_850 = arith.constant 0 : i32
      %dma_wait3A_851 = tpu.memref_slice %arg4[%dma_wait3A_849, %dma_wait3A_850] : memref<16x1000000xf32, #tpu.memory_space<hbm>> -> memref<16x128xf32, #tpu.memory_space<hbm>>
      %dma_wait3A_852 = arith.constant 0 : i32
      %dma_wait3A_853 = arith.constant 0 : i32
      %dma_wait3A_854 = tpu.memref_slice %arg11[%dma_wait3A_844, %dma_wait3A_852, %dma_wait3A_853] : memref<16x16x128xf32, #tpu.memory_space<vmem>> -> memref<1x16x128xf32, #tpu.memory_space<vmem>>
      %dma_wait3A_855 = tpu.memref_squeeze %dma_wait3A_854 : memref<1x16x128xf32, #tpu.memory_space<vmem>> -> memref<16x128xf32, #tpu.memory_space<vmem>>
      %dma_wait3A_856 = arith.constant 0 : i32
      %dma_wait3A_857 = arith.constant 0 : i32
      %dma_wait3A_858 = tpu.memref_slice %arg4[%dma_wait3A_856, %dma_wait3A_857] : memref<16x1000000xf32, #tpu.memory_space<hbm>> -> memref<16x128xf32, #tpu.memory_space<hbm>>
      tpu.wait_dma2 semaphore(%arg16 : memref<!tpu.dma_semaphore, #tpu.memory_space<semaphore_mem>>) src(%dma_wait3A_858 : memref<16x128xf32, #tpu.memory_space<hbm>>) dst(%dma_wait3A_855 : memref<16x128xf32, #tpu.memory_space<vmem>>)
      %dma_wait3A_859 = arith.constant 0 : i32
      %dma_wait3A_860 = arith.constant 0 : i32
      %dma_wait3A_861 = arith.constant 0 : i32
      %dma_wait3A_862 = tpu.memref_slice %arg12[%dma_wait3A_859, %dma_wait3A_860, %dma_wait3A_861] : memref<16x16x128xf32, #tpu.memory_space<vmem>> -> memref<1x16x128xf32, #tpu.memory_space<vmem>>
      %dma_wait3A_863 = tpu.memref_squeeze %dma_wait3A_862 : memref<1x16x128xf32, #tpu.memory_space<vmem>> -> memref<16x128xf32, #tpu.memory_space<vmem>>
      %dma_wait3A_864 = arith.constant 0 : i32
      %dma_wait3A_865 = arith.constant 0 : i32
      %dma_wait3A_866 = tpu.memref_slice %arg5[%dma_wait3A_864, %dma_wait3A_865] : memref<16x1000000xf32, #tpu.memory_space<hbm>> -> memref<16x128xf32, #tpu.memory_space<hbm>>
      %dma_wait3A_867 = arith.constant 0 : i32
      %dma_wait3A_868 = arith.constant 0 : i32
      %dma_wait3A_869 = tpu.memref_slice %arg12[%dma_wait3A_859, %dma_wait3A_867, %dma_wait3A_868] : memref<16x16x128xf32, #tpu.memory_space<vmem>> -> memref<1x16x128xf32, #tpu.memory_space<vmem>>
      %dma_wait3A_870 = tpu.memref_squeeze %dma_wait3A_869 : memref<1x16x128xf32, #tpu.memory_space<vmem>> -> memref<16x128xf32, #tpu.memory_space<vmem>>
      %dma_wait3A_871 = arith.constant 0 : i32
      %dma_wait3A_872 = arith.constant 0 : i32
      %dma_wait3A_873 = tpu.memref_slice %arg5[%dma_wait3A_871, %dma_wait3A_872] : memref<16x1000000xf32, #tpu.memory_space<hbm>> -> memref<16x128xf32, #tpu.memory_space<hbm>>
      tpu.wait_dma2 semaphore(%arg16 : memref<!tpu.dma_semaphore, #tpu.memory_space<semaphore_mem>>) src(%dma_wait3A_873 : memref<16x128xf32, #tpu.memory_space<hbm>>) dst(%dma_wait3A_870 : memref<16x128xf32, #tpu.memory_space<vmem>>)
      %dma_wait3A_874 = arith.constant 0 : i32
      %dma_wait3A_875 = arith.constant 0 : i32
      %dma_wait3A_876 = arith.constant 0 : i32
      %dma_wait3A_877 = tpu.memref_slice %arg11[%dma_wait3A_874, %dma_wait3A_875, %dma_wait3A_876] : memref<16x16x128xf32, #tpu.memory_space<vmem>> -> memref<1x16x128xf32, #tpu.memory_space<vmem>>
      %dma_wait3A_878 = tpu.memref_squeeze %dma_wait3A_877 : memref<1x16x128xf32, #tpu.memory_space<vmem>> -> memref<16x128xf32, #tpu.memory_space<vmem>>
      %dma_wait3A_879 = arith.constant 0 : i32
      %dma_wait3A_880 = arith.constant 0 : i32
      %dma_wait3A_881 = tpu.memref_slice %arg4[%dma_wait3A_879, %dma_wait3A_880] : memref<16x1000000xf32, #tpu.memory_space<hbm>> -> memref<16x128xf32, #tpu.memory_space<hbm>>
      %dma_wait3A_882 = arith.constant 0 : i32
      %dma_wait3A_883 = arith.constant 0 : i32
      %dma_wait3A_884 = tpu.memref_slice %arg11[%dma_wait3A_874, %dma_wait3A_882, %dma_wait3A_883] : memref<16x16x128xf32, #tpu.memory_space<vmem>> -> memref<1x16x128xf32, #tpu.memory_space<vmem>>
      %dma_wait3A_885 = tpu.memref_squeeze %dma_wait3A_884 : memref<1x16x128xf32, #tpu.memory_space<vmem>> -> memref<16x128xf32, #tpu.memory_space<vmem>>
      %dma_wait3A_886 = arith.constant 0 : i32
      %dma_wait3A_887 = arith.constant 0 : i32
      %dma_wait3A_888 = tpu.memref_slice %arg4[%dma_wait3A_886, %dma_wait3A_887] : memref<16x1000000xf32, #tpu.memory_space<hbm>> -> memref<16x128xf32, #tpu.memory_space<hbm>>
      tpu.wait_dma2 semaphore(%arg16 : memref<!tpu.dma_semaphore, #tpu.memory_space<semaphore_mem>>) src(%dma_wait3A_888 : memref<16x128xf32, #tpu.memory_space<hbm>>) dst(%dma_wait3A_885 : memref<16x128xf32, #tpu.memory_space<vmem>>)
      %dma_wait3A_889 = arith.constant 0 : i32
      %dma_wait3A_890 = arith.constant 0 : i32
      %dma_wait3A_891 = arith.constant 0 : i32
      %dma_wait3A_892 = tpu.memref_slice %arg12[%dma_wait3A_889, %dma_wait3A_890, %dma_wait3A_891] : memref<16x16x128xf32, #tpu.memory_space<vmem>> -> memref<1x16x128xf32, #tpu.memory_space<vmem>>
      %dma_wait3A_893 = tpu.memref_squeeze %dma_wait3A_892 : memref<1x16x128xf32, #tpu.memory_space<vmem>> -> memref<16x128xf32, #tpu.memory_space<vmem>>
      %dma_wait3A_894 = arith.constant 0 : i32
      %dma_wait3A_895 = arith.constant 0 : i32
      %dma_wait3A_896 = tpu.memref_slice %arg5[%dma_wait3A_894, %dma_wait3A_895] : memref<16x1000000xf32, #tpu.memory_space<hbm>> -> memref<16x128xf32, #tpu.memory_space<hbm>>
      %dma_wait3A_897 = arith.constant 0 : i32
      %dma_wait3A_898 = arith.constant 0 : i32
      %dma_wait3A_899 = tpu.memref_slice %arg12[%dma_wait3A_889, %dma_wait3A_897, %dma_wait3A_898] : memref<16x16x128xf32, #tpu.memory_space<vmem>> -> memref<1x16x128xf32, #tpu.memory_space<vmem>>
      %dma_wait3A_900 = tpu.memref_squeeze %dma_wait3A_899 : memref<1x16x128xf32, #tpu.memory_space<vmem>> -> memref<16x128xf32, #tpu.memory_space<vmem>>
      %dma_wait3A_901 = arith.constant 0 : i32
      %dma_wait3A_902 = arith.constant 0 : i32
      %dma_wait3A_903 = tpu.memref_slice %arg5[%dma_wait3A_901, %dma_wait3A_902] : memref<16x1000000xf32, #tpu.memory_space<hbm>> -> memref<16x128xf32, #tpu.memory_space<hbm>>
      tpu.wait_dma2 semaphore(%arg16 : memref<!tpu.dma_semaphore, #tpu.memory_space<semaphore_mem>>) src(%dma_wait3A_903 : memref<16x128xf32, #tpu.memory_space<hbm>>) dst(%dma_wait3A_900 : memref<16x128xf32, #tpu.memory_space<vmem>>)
      %dma_wait3A_904 = arith.constant 0 : i32
      %dma_wait3A_905 = arith.constant 0 : i32
      %dma_wait3A_906 = arith.constant 0 : i32
      %dma_wait3A_907 = tpu.memref_slice %arg11[%dma_wait3A_904, %dma_wait3A_905, %dma_wait3A_906] : memref<16x16x128xf32, #tpu.memory_space<vmem>> -> memref<1x16x128xf32, #tpu.memory_space<vmem>>
      %dma_wait3A_908 = tpu.memref_squeeze %dma_wait3A_907 : memref<1x16x128xf32, #tpu.memory_space<vmem>> -> memref<16x128xf32, #tpu.memory_space<vmem>>
      %dma_wait3A_909 = arith.constant 0 : i32
      %dma_wait3A_910 = arith.constant 0 : i32
      %dma_wait3A_911 = tpu.memref_slice %arg4[%dma_wait3A_909, %dma_wait3A_910] : memref<16x1000000xf32, #tpu.memory_space<hbm>> -> memref<16x128xf32, #tpu.memory_space<hbm>>
      %dma_wait3A_912 = arith.constant 0 : i32
      %dma_wait3A_913 = arith.constant 0 : i32
      %dma_wait3A_914 = tpu.memref_slice %arg11[%dma_wait3A_904, %dma_wait3A_912, %dma_wait3A_913] : memref<16x16x128xf32, #tpu.memory_space<vmem>> -> memref<1x16x128xf32, #tpu.memory_space<vmem>>
      %dma_wait3A_915 = tpu.memref_squeeze %dma_wait3A_914 : memref<1x16x128xf32, #tpu.memory_space<vmem>> -> memref<16x128xf32, #tpu.memory_space<vmem>>
      %dma_wait3A_916 = arith.constant 0 : i32
      %dma_wait3A_917 = arith.constant 0 : i32
      %dma_wait3A_918 = tpu.memref_slice %arg4[%dma_wait3A_916, %dma_wait3A_917] : memref<16x1000000xf32, #tpu.memory_space<hbm>> -> memref<16x128xf32, #tpu.memory_space<hbm>>
      tpu.wait_dma2 semaphore(%arg16 : memref<!tpu.dma_semaphore, #tpu.memory_space<semaphore_mem>>) src(%dma_wait3A_918 : memref<16x128xf32, #tpu.memory_space<hbm>>) dst(%dma_wait3A_915 : memref<16x128xf32, #tpu.memory_space<vmem>>)
      %dma_wait3A_919 = arith.constant 0 : i32
      %dma_wait3A_920 = arith.constant 0 : i32
      %dma_wait3A_921 = arith.constant 0 : i32
      %dma_wait3A_922 = tpu.memref_slice %arg12[%dma_wait3A_919, %dma_wait3A_920, %dma_wait3A_921] : memref<16x16x128xf32, #tpu.memory_space<vmem>> -> memref<1x16x128xf32, #tpu.memory_space<vmem>>
      %dma_wait3A_923 = tpu.memref_squeeze %dma_wait3A_922 : memref<1x16x128xf32, #tpu.memory_space<vmem>> -> memref<16x128xf32, #tpu.memory_space<vmem>>
      %dma_wait3A_924 = arith.constant 0 : i32
      %dma_wait3A_925 = arith.constant 0 : i32
      %dma_wait3A_926 = tpu.memref_slice %arg5[%dma_wait3A_924, %dma_wait3A_925] : memref<16x1000000xf32, #tpu.memory_space<hbm>> -> memref<16x128xf32, #tpu.memory_space<hbm>>
      %dma_wait3A_927 = arith.constant 0 : i32
      %dma_wait3A_928 = arith.constant 0 : i32
      %dma_wait3A_929 = tpu.memref_slice %arg12[%dma_wait3A_919, %dma_wait3A_927, %dma_wait3A_928] : memref<16x16x128xf32, #tpu.memory_space<vmem>> -> memref<1x16x128xf32, #tpu.memory_space<vmem>>
      %dma_wait3A_930 = tpu.memref_squeeze %dma_wait3A_929 : memref<1x16x128xf32, #tpu.memory_space<vmem>> -> memref<16x128xf32, #tpu.memory_space<vmem>>
      %dma_wait3A_931 = arith.constant 0 : i32
      %dma_wait3A_932 = arith.constant 0 : i32
      %dma_wait3A_933 = tpu.memref_slice %arg5[%dma_wait3A_931, %dma_wait3A_932] : memref<16x1000000xf32, #tpu.memory_space<hbm>> -> memref<16x128xf32, #tpu.memory_space<hbm>>
      tpu.wait_dma2 semaphore(%arg16 : memref<!tpu.dma_semaphore, #tpu.memory_space<semaphore_mem>>) src(%dma_wait3A_933 : memref<16x128xf32, #tpu.memory_space<hbm>>) dst(%dma_wait3A_930 : memref<16x128xf32, #tpu.memory_space<vmem>>)
      %dma_wait3A_934 = arith.constant 0 : i32
      %dma_wait3A_935 = arith.constant 0 : i32
      %dma_wait3A_936 = arith.constant 0 : i32
      %dma_wait3A_937 = tpu.memref_slice %arg11[%dma_wait3A_934, %dma_wait3A_935, %dma_wait3A_936] : memref<16x16x128xf32, #tpu.memory_space<vmem>> -> memref<1x16x128xf32, #tpu.memory_space<vmem>>
      %dma_wait3A_938 = tpu.memref_squeeze %dma_wait3A_937 : memref<1x16x128xf32, #tpu.memory_space<vmem>> -> memref<16x128xf32, #tpu.memory_space<vmem>>
      %dma_wait3A_939 = arith.constant 0 : i32
      %dma_wait3A_940 = arith.constant 0 : i32
      %dma_wait3A_941 = tpu.memref_slice %arg4[%dma_wait3A_939, %dma_wait3A_940] : memref<16x1000000xf32, #tpu.memory_space<hbm>> -> memref<16x128xf32, #tpu.memory_space<hbm>>
      %dma_wait3A_942 = arith.constant 0 : i32
      %dma_wait3A_943 = arith.constant 0 : i32
      %dma_wait3A_944 = tpu.memref_slice %arg11[%dma_wait3A_934, %dma_wait3A_942, %dma_wait3A_943] : memref<16x16x128xf32, #tpu.memory_space<vmem>> -> memref<1x16x128xf32, #tpu.memory_space<vmem>>
      %dma_wait3A_945 = tpu.memref_squeeze %dma_wait3A_944 : memref<1x16x128xf32, #tpu.memory_space<vmem>> -> memref<16x128xf32, #tpu.memory_space<vmem>>
      %dma_wait3A_946 = arith.constant 0 : i32
      %dma_wait3A_947 = arith.constant 0 : i32
      %dma_wait3A_948 = tpu.memref_slice %arg4[%dma_wait3A_946, %dma_wait3A_947] : memref<16x1000000xf32, #tpu.memory_space<hbm>> -> memref<16x128xf32, #tpu.memory_space<hbm>>
      tpu.wait_dma2 semaphore(%arg16 : memref<!tpu.dma_semaphore, #tpu.memory_space<semaphore_mem>>) src(%dma_wait3A_948 : memref<16x128xf32, #tpu.memory_space<hbm>>) dst(%dma_wait3A_945 : memref<16x128xf32, #tpu.memory_space<vmem>>)
      %dma_wait3A_949 = arith.constant 0 : i32
      %dma_wait3A_950 = arith.constant 0 : i32
      %dma_wait3A_951 = arith.constant 0 : i32
      %dma_wait3A_952 = tpu.memref_slice %arg12[%dma_wait3A_949, %dma_wait3A_950, %dma_wait3A_951] : memref<16x16x128xf32, #tpu.memory_space<vmem>> -> memref<1x16x128xf32, #tpu.memory_space<vmem>>
      %dma_wait3A_953 = tpu.memref_squeeze %dma_wait3A_952 : memref<1x16x128xf32, #tpu.memory_space<vmem>> -> memref<16x128xf32, #tpu.memory_space<vmem>>
      %dma_wait3A_954 = arith.constant 0 : i32
      %dma_wait3A_955 = arith.constant 0 : i32
      %dma_wait3A_956 = tpu.memref_slice %arg5[%dma_wait3A_954, %dma_wait3A_955] : memref<16x1000000xf32, #tpu.memory_space<hbm>> -> memref<16x128xf32, #tpu.memory_space<hbm>>
      %dma_wait3A_957 = arith.constant 0 : i32
      %dma_wait3A_958 = arith.constant 0 : i32
      %dma_wait3A_959 = tpu.memref_slice %arg12[%dma_wait3A_949, %dma_wait3A_957, %dma_wait3A_958] : memref<16x16x128xf32, #tpu.memory_space<vmem>> -> memref<1x16x128xf32, #tpu.memory_space<vmem>>
      %dma_wait3A_960 = tpu.memref_squeeze %dma_wait3A_959 : memref<1x16x128xf32, #tpu.memory_space<vmem>> -> memref<16x128xf32, #tpu.memory_space<vmem>>
      %dma_wait3A_961 = arith.constant 0 : i32
      %dma_wait3A_962 = arith.constant 0 : i32
      %dma_wait3A_963 = tpu.memref_slice %arg5[%dma_wait3A_961, %dma_wait3A_962] : memref<16x1000000xf32, #tpu.memory_space<hbm>> -> memref<16x128xf32, #tpu.memory_space<hbm>>
      tpu.wait_dma2 semaphore(%arg16 : memref<!tpu.dma_semaphore, #tpu.memory_space<semaphore_mem>>) src(%dma_wait3A_963 : memref<16x128xf32, #tpu.memory_space<hbm>>) dst(%dma_wait3A_960 : memref<16x128xf32, #tpu.memory_space<vmem>>)
      %dma_wait3A_964 = arith.constant 0 : i32
      %dma_wait3A_965 = arith.constant 0 : i32
      %dma_wait3A_966 = arith.constant 0 : i32
      %dma_wait3A_967 = tpu.memref_slice %arg11[%dma_wait3A_964, %dma_wait3A_965, %dma_wait3A_966] : memref<16x16x128xf32, #tpu.memory_space<vmem>> -> memref<1x16x128xf32, #tpu.memory_space<vmem>>
      %dma_wait3A_968 = tpu.memref_squeeze %dma_wait3A_967 : memref<1x16x128xf32, #tpu.memory_space<vmem>> -> memref<16x128xf32, #tpu.memory_space<vmem>>
      %dma_wait3A_969 = arith.constant 0 : i32
      %dma_wait3A_970 = arith.constant 0 : i32
      %dma_wait3A_971 = tpu.memref_slice %arg4[%dma_wait3A_969, %dma_wait3A_970] : memref<16x1000000xf32, #tpu.memory_space<hbm>> -> memref<16x128xf32, #tpu.memory_space<hbm>>
      %dma_wait3A_972 = arith.constant 0 : i32
      %dma_wait3A_973 = arith.constant 0 : i32
      %dma_wait3A_974 = tpu.memref_slice %arg11[%dma_wait3A_964, %dma_wait3A_972, %dma_wait3A_973] : memref<16x16x128xf32, #tpu.memory_space<vmem>> -> memref<1x16x128xf32, #tpu.memory_space<vmem>>
      %dma_wait3A_975 = tpu.memref_squeeze %dma_wait3A_974 : memref<1x16x128xf32, #tpu.memory_space<vmem>> -> memref<16x128xf32, #tpu.memory_space<vmem>>
      %dma_wait3A_976 = arith.constant 0 : i32
      %dma_wait3A_977 = arith.constant 0 : i32
      %dma_wait3A_978 = tpu.memref_slice %arg4[%dma_wait3A_976, %dma_wait3A_977] : memref<16x1000000xf32, #tpu.memory_space<hbm>> -> memref<16x128xf32, #tpu.memory_space<hbm>>
      tpu.wait_dma2 semaphore(%arg16 : memref<!tpu.dma_semaphore, #tpu.memory_space<semaphore_mem>>) src(%dma_wait3A_978 : memref<16x128xf32, #tpu.memory_space<hbm>>) dst(%dma_wait3A_975 : memref<16x128xf32, #tpu.memory_space<vmem>>)
      %dma_wait3A_979 = arith.constant 0 : i32
      %dma_wait3A_980 = arith.constant 0 : i32
      %dma_wait3A_981 = arith.constant 0 : i32
      %dma_wait3A_982 = tpu.memref_slice %arg12[%dma_wait3A_979, %dma_wait3A_980, %dma_wait3A_981] : memref<16x16x128xf32, #tpu.memory_space<vmem>> -> memref<1x16x128xf32, #tpu.memory_space<vmem>>
      %dma_wait3A_983 = tpu.memref_squeeze %dma_wait3A_982 : memref<1x16x128xf32, #tpu.memory_space<vmem>> -> memref<16x128xf32, #tpu.memory_space<vmem>>
      %dma_wait3A_984 = arith.constant 0 : i32
      %dma_wait3A_985 = arith.constant 0 : i32
      %dma_wait3A_986 = tpu.memref_slice %arg5[%dma_wait3A_984, %dma_wait3A_985] : memref<16x1000000xf32, #tpu.memory_space<hbm>> -> memref<16x128xf32, #tpu.memory_space<hbm>>
      %dma_wait3A_987 = arith.constant 0 : i32
      %dma_wait3A_988 = arith.constant 0 : i32
      %dma_wait3A_989 = tpu.memref_slice %arg12[%dma_wait3A_979, %dma_wait3A_987, %dma_wait3A_988] : memref<16x16x128xf32, #tpu.memory_space<vmem>> -> memref<1x16x128xf32, #tpu.memory_space<vmem>>
      %dma_wait3A_990 = tpu.memref_squeeze %dma_wait3A_989 : memref<1x16x128xf32, #tpu.memory_space<vmem>> -> memref<16x128xf32, #tpu.memory_space<vmem>>
      %dma_wait3A_991 = arith.constant 0 : i32
      %dma_wait3A_992 = arith.constant 0 : i32
      %dma_wait3A_993 = tpu.memref_slice %arg5[%dma_wait3A_991, %dma_wait3A_992] : memref<16x1000000xf32, #tpu.memory_space<hbm>> -> memref<16x128xf32, #tpu.memory_space<hbm>>
      tpu.wait_dma2 semaphore(%arg16 : memref<!tpu.dma_semaphore, #tpu.memory_space<semaphore_mem>>) src(%dma_wait3A_993 : memref<16x128xf32, #tpu.memory_space<hbm>>) dst(%dma_wait3A_990 : memref<16x128xf32, #tpu.memory_space<vmem>>)
      %dma_wait3A_994 = arith.constant 0 : i32
      %dma_wait3A_995 = arith.constant 0 : i32
      %dma_wait3A_996 = arith.constant 0 : i32
      %dma_wait3A_997 = tpu.memref_slice %arg11[%dma_wait3A_994, %dma_wait3A_995, %dma_wait3A_996] : memref<16x16x128xf32, #tpu.memory_space<vmem>> -> memref<1x16x128xf32, #tpu.memory_space<vmem>>
      %dma_wait3A_998 = tpu.memref_squeeze %dma_wait3A_997 : memref<1x16x128xf32, #tpu.memory_space<vmem>> -> memref<16x128xf32, #tpu.memory_space<vmem>>
      %dma_wait3A_999 = arith.constant 0 : i32
      %dma_wait3A_1000 = arith.constant 0 : i32
      %dma_wait3A_1001 = tpu.memref_slice %arg4[%dma_wait3A_999, %dma_wait3A_1000] : memref<16x1000000xf32, #tpu.memory_space<hbm>> -> memref<16x128xf32, #tpu.memory_space<hbm>>
      %dma_wait3A_1002 = arith.constant 0 : i32
      %dma_wait3A_1003 = arith.constant 0 : i32
      %dma_wait3A_1004 = tpu.memref_slice %arg11[%dma_wait3A_994, %dma_wait3A_1002, %dma_wait3A_1003] : memref<16x16x128xf32, #tpu.memory_space<vmem>> -> memref<1x16x128xf32, #tpu.memory_space<vmem>>
      %dma_wait3A_1005 = tpu.memref_squeeze %dma_wait3A_1004 : memref<1x16x128xf32, #tpu.memory_space<vmem>> -> memref<16x128xf32, #tpu.memory_space<vmem>>
      %dma_wait3A_1006 = arith.constant 0 : i32
      %dma_wait3A_1007 = arith.constant 0 : i32
      %dma_wait3A_1008 = tpu.memref_slice %arg4[%dma_wait3A_1006, %dma_wait3A_1007] : memref<16x1000000xf32, #tpu.memory_space<hbm>> -> memref<16x128xf32, #tpu.memory_space<hbm>>
      tpu.wait_dma2 semaphore(%arg16 : memref<!tpu.dma_semaphore, #tpu.memory_space<semaphore_mem>>) src(%dma_wait3A_1008 : memref<16x128xf32, #tpu.memory_space<hbm>>) dst(%dma_wait3A_1005 : memref<16x128xf32, #tpu.memory_space<vmem>>)
      %dma_wait3A_1009 = arith.constant 0 : i32
      %dma_wait3A_1010 = arith.constant 0 : i32
      %dma_wait3A_1011 = arith.constant 0 : i32
      %dma_wait3A_1012 = tpu.memref_slice %arg12[%dma_wait3A_1009, %dma_wait3A_1010, %dma_wait3A_1011] : memref<16x16x128xf32, #tpu.memory_space<vmem>> -> memref<1x16x128xf32, #tpu.memory_space<vmem>>
      %dma_wait3A_1013 = tpu.memref_squeeze %dma_wait3A_1012 : memref<1x16x128xf32, #tpu.memory_space<vmem>> -> memref<16x128xf32, #tpu.memory_space<vmem>>
      %dma_wait3A_1014 = arith.constant 0 : i32
      %dma_wait3A_1015 = arith.constant 0 : i32
      %dma_wait3A_1016 = tpu.memref_slice %arg5[%dma_wait3A_1014, %dma_wait3A_1015] : memref<16x1000000xf32, #tpu.memory_space<hbm>> -> memref<16x128xf32, #tpu.memory_space<hbm>>
      %dma_wait3A_1017 = arith.constant 0 : i32
      %dma_wait3A_1018 = arith.constant 0 : i32
      %dma_wait3A_1019 = tpu.memref_slice %arg12[%dma_wait3A_1009, %dma_wait3A_1017, %dma_wait3A_1018] : memref<16x16x128xf32, #tpu.memory_space<vmem>> -> memref<1x16x128xf32, #tpu.memory_space<vmem>>
      %dma_wait3A_1020 = tpu.memref_squeeze %dma_wait3A_1019 : memref<1x16x128xf32, #tpu.memory_space<vmem>> -> memref<16x128xf32, #tpu.memory_space<vmem>>
      %dma_wait3A_1021 = arith.constant 0 : i32
      %dma_wait3A_1022 = arith.constant 0 : i32
      %dma_wait3A_1023 = tpu.memref_slice %arg5[%dma_wait3A_1021, %dma_wait3A_1022] : memref<16x1000000xf32, #tpu.memory_space<hbm>> -> memref<16x128xf32, #tpu.memory_space<hbm>>
      tpu.wait_dma2 semaphore(%arg16 : memref<!tpu.dma_semaphore, #tpu.memory_space<semaphore_mem>>) src(%dma_wait3A_1023 : memref<16x128xf32, #tpu.memory_space<hbm>>) dst(%dma_wait3A_1020 : memref<16x128xf32, #tpu.memory_space<vmem>>)
      %dma_wait3A_1024 = arith.constant 0 : i32
      %dma_wait3A_1025 = arith.constant 0 : i32
      %dma_wait3A_1026 = arith.constant 0 : i32
      %dma_wait3A_1027 = tpu.memref_slice %arg11[%dma_wait3A_1024, %dma_wait3A_1025, %dma_wait3A_1026] : memref<16x16x128xf32, #tpu.memory_space<vmem>> -> memref<1x16x128xf32, #tpu.memory_space<vmem>>
      %dma_wait3A_1028 = tpu.memref_squeeze %dma_wait3A_1027 : memref<1x16x128xf32, #tpu.memory_space<vmem>> -> memref<16x128xf32, #tpu.memory_space<vmem>>
      %dma_wait3A_1029 = arith.constant 0 : i32
      %dma_wait3A_1030 = arith.constant 0 : i32
      %dma_wait3A_1031 = tpu.memref_slice %arg4[%dma_wait3A_1029, %dma_wait3A_1030] : memref<16x1000000xf32, #tpu.memory_space<hbm>> -> memref<16x128xf32, #tpu.memory_space<hbm>>
      %dma_wait3A_1032 = arith.constant 0 : i32
      %dma_wait3A_1033 = arith.constant 0 : i32
      %dma_wait3A_1034 = tpu.memref_slice %arg11[%dma_wait3A_1024, %dma_wait3A_1032, %dma_wait3A_1033] : memref<16x16x128xf32, #tpu.memory_space<vmem>> -> memref<1x16x128xf32, #tpu.memory_space<vmem>>
      %dma_wait3A_1035 = tpu.memref_squeeze %dma_wait3A_1034 : memref<1x16x128xf32, #tpu.memory_space<vmem>> -> memref<16x128xf32, #tpu.memory_space<vmem>>
      %dma_wait3A_1036 = arith.constant 0 : i32
      %dma_wait3A_1037 = arith.constant 0 : i32
      %dma_wait3A_1038 = tpu.memref_slice %arg4[%dma_wait3A_1036, %dma_wait3A_1037] : memref<16x1000000xf32, #tpu.memory_space<hbm>> -> memref<16x128xf32, #tpu.memory_space<hbm>>
      tpu.wait_dma2 semaphore(%arg16 : memref<!tpu.dma_semaphore, #tpu.memory_space<semaphore_mem>>) src(%dma_wait3A_1038 : memref<16x128xf32, #tpu.memory_space<hbm>>) dst(%dma_wait3A_1035 : memref<16x128xf32, #tpu.memory_space<vmem>>)
      %dma_wait3A_1039 = arith.constant 0 : i32
      %dma_wait3A_1040 = arith.constant 0 : i32
      %dma_wait3A_1041 = arith.constant 0 : i32
      %dma_wait3A_1042 = tpu.memref_slice %arg12[%dma_wait3A_1039, %dma_wait3A_1040, %dma_wait3A_1041] : memref<16x16x128xf32, #tpu.memory_space<vmem>> -> memref<1x16x128xf32, #tpu.memory_space<vmem>>
      %dma_wait3A_1043 = tpu.memref_squeeze %dma_wait3A_1042 : memref<1x16x128xf32, #tpu.memory_space<vmem>> -> memref<16x128xf32, #tpu.memory_space<vmem>>
      %dma_wait3A_1044 = arith.constant 0 : i32
      %dma_wait3A_1045 = arith.constant 0 : i32
      %dma_wait3A_1046 = tpu.memref_slice %arg5[%dma_wait3A_1044, %dma_wait3A_1045] : memref<16x1000000xf32, #tpu.memory_space<hbm>> -> memref<16x128xf32, #tpu.memory_space<hbm>>
      %dma_wait3A_1047 = arith.constant 0 : i32
      %dma_wait3A_1048 = arith.constant 0 : i32
      %dma_wait3A_1049 = tpu.memref_slice %arg12[%dma_wait3A_1039, %dma_wait3A_1047, %dma_wait3A_1048] : memref<16x16x128xf32, #tpu.memory_space<vmem>> -> memref<1x16x128xf32, #tpu.memory_space<vmem>>
      %dma_wait3A_1050 = tpu.memref_squeeze %dma_wait3A_1049 : memref<1x16x128xf32, #tpu.memory_space<vmem>> -> memref<16x128xf32, #tpu.memory_space<vmem>>
      %dma_wait3A_1051 = arith.constant 0 : i32
      %dma_wait3A_1052 = arith.constant 0 : i32
      %dma_wait3A_1053 = tpu.memref_slice %arg5[%dma_wait3A_1051, %dma_wait3A_1052] : memref<16x1000000xf32, #tpu.memory_space<hbm>> -> memref<16x128xf32, #tpu.memory_space<hbm>>
      tpu.wait_dma2 semaphore(%arg16 : memref<!tpu.dma_semaphore, #tpu.memory_space<semaphore_mem>>) src(%dma_wait3A_1053 : memref<16x128xf32, #tpu.memory_space<hbm>>) dst(%dma_wait3A_1050 : memref<16x128xf32, #tpu.memory_space<vmem>>)
      %dma_wait3A_1054 = arith.constant 0 : i32
      %dma_wait3A_1055 = arith.constant 0 : i32
      %dma_wait3A_1056 = arith.constant 0 : i32
      %dma_wait3A_1057 = tpu.memref_slice %arg11[%dma_wait3A_1054, %dma_wait3A_1055, %dma_wait3A_1056] : memref<16x16x128xf32, #tpu.memory_space<vmem>> -> memref<1x16x128xf32, #tpu.memory_space<vmem>>
      %dma_wait3A_1058 = tpu.memref_squeeze %dma_wait3A_1057 : memref<1x16x128xf32, #tpu.memory_space<vmem>> -> memref<16x128xf32, #tpu.memory_space<vmem>>
      %dma_wait3A_1059 = arith.constant 0 : i32
      %dma_wait3A_1060 = arith.constant 0 : i32
      %dma_wait3A_1061 = tpu.memref_slice %arg4[%dma_wait3A_1059, %dma_wait3A_1060] : memref<16x1000000xf32, #tpu.memory_space<hbm>> -> memref<16x128xf32, #tpu.memory_space<hbm>>
      %dma_wait3A_1062 = arith.constant 0 : i32
      %dma_wait3A_1063 = arith.constant 0 : i32
      %dma_wait3A_1064 = tpu.memref_slice %arg11[%dma_wait3A_1054, %dma_wait3A_1062, %dma_wait3A_1063] : memref<16x16x128xf32, #tpu.memory_space<vmem>> -> memref<1x16x128xf32, #tpu.memory_space<vmem>>
      %dma_wait3A_1065 = tpu.memref_squeeze %dma_wait3A_1064 : memref<1x16x128xf32, #tpu.memory_space<vmem>> -> memref<16x128xf32, #tpu.memory_space<vmem>>
      %dma_wait3A_1066 = arith.constant 0 : i32
      %dma_wait3A_1067 = arith.constant 0 : i32
      %dma_wait3A_1068 = tpu.memref_slice %arg4[%dma_wait3A_1066, %dma_wait3A_1067] : memref<16x1000000xf32, #tpu.memory_space<hbm>> -> memref<16x128xf32, #tpu.memory_space<hbm>>
      tpu.wait_dma2 semaphore(%arg16 : memref<!tpu.dma_semaphore, #tpu.memory_space<semaphore_mem>>) src(%dma_wait3A_1068 : memref<16x128xf32, #tpu.memory_space<hbm>>) dst(%dma_wait3A_1065 : memref<16x128xf32, #tpu.memory_space<vmem>>)
      %dma_wait3A_1069 = arith.constant 0 : i32
      %dma_wait3A_1070 = arith.constant 0 : i32
      %dma_wait3A_1071 = arith.constant 0 : i32
      %dma_wait3A_1072 = tpu.memref_slice %arg12[%dma_wait3A_1069, %dma_wait3A_1070, %dma_wait3A_1071] : memref<16x16x128xf32, #tpu.memory_space<vmem>> -> memref<1x16x128xf32, #tpu.memory_space<vmem>>
      %dma_wait3A_1073 = tpu.memref_squeeze %dma_wait3A_1072 : memref<1x16x128xf32, #tpu.memory_space<vmem>> -> memref<16x128xf32, #tpu.memory_space<vmem>>
      %dma_wait3A_1074 = arith.constant 0 : i32
      %dma_wait3A_1075 = arith.constant 0 : i32
      %dma_wait3A_1076 = tpu.memref_slice %arg5[%dma_wait3A_1074, %dma_wait3A_1075] : memref<16x1000000xf32, #tpu.memory_space<hbm>> -> memref<16x128xf32, #tpu.memory_space<hbm>>
      %dma_wait3A_1077 = arith.constant 0 : i32
      %dma_wait3A_1078 = arith.constant 0 : i32
      %dma_wait3A_1079 = tpu.memref_slice %arg12[%dma_wait3A_1069, %dma_wait3A_1077, %dma_wait3A_1078] : memref<16x16x128xf32, #tpu.memory_space<vmem>> -> memref<1x16x128xf32, #tpu.memory_space<vmem>>
      %dma_wait3A_1080 = tpu.memref_squeeze %dma_wait3A_1079 : memref<1x16x128xf32, #tpu.memory_space<vmem>> -> memref<16x128xf32, #tpu.memory_space<vmem>>
      %dma_wait3A_1081 = arith.constant 0 : i32
      %dma_wait3A_1082 = arith.constant 0 : i32
      %dma_wait3A_1083 = tpu.memref_slice %arg5[%dma_wait3A_1081, %dma_wait3A_1082] : memref<16x1000000xf32, #tpu.memory_space<hbm>> -> memref<16x128xf32, #tpu.memory_space<hbm>>
      tpu.wait_dma2 semaphore(%arg16 : memref<!tpu.dma_semaphore, #tpu.memory_space<semaphore_mem>>) src(%dma_wait3A_1083 : memref<16x128xf32, #tpu.memory_space<hbm>>) dst(%dma_wait3A_1080 : memref<16x128xf32, #tpu.memory_space<vmem>>)
      %dma_wait3A_1084 = arith.constant 0 : i32
      %dma_wait3A_1085 = arith.constant 0 : i32
      %dma_wait3A_1086 = arith.constant 0 : i32
      %dma_wait3A_1087 = tpu.memref_slice %arg11[%dma_wait3A_1084, %dma_wait3A_1085, %dma_wait3A_1086] : memref<16x16x128xf32, #tpu.memory_space<vmem>> -> memref<1x16x128xf32, #tpu.memory_space<vmem>>
      %dma_wait3A_1088 = tpu.memref_squeeze %dma_wait3A_1087 : memref<1x16x128xf32, #tpu.memory_space<vmem>> -> memref<16x128xf32, #tpu.memory_space<vmem>>
      %dma_wait3A_1089 = arith.constant 0 : i32
      %dma_wait3A_1090 = arith.constant 0 : i32
      %dma_wait3A_1091 = tpu.memref_slice %arg4[%dma_wait3A_1089, %dma_wait3A_1090] : memref<16x1000000xf32, #tpu.memory_space<hbm>> -> memref<16x128xf32, #tpu.memory_space<hbm>>
      %dma_wait3A_1092 = arith.constant 0 : i32
      %dma_wait3A_1093 = arith.constant 0 : i32
      %dma_wait3A_1094 = tpu.memref_slice %arg11[%dma_wait3A_1084, %dma_wait3A_1092, %dma_wait3A_1093] : memref<16x16x128xf32, #tpu.memory_space<vmem>> -> memref<1x16x128xf32, #tpu.memory_space<vmem>>
      %dma_wait3A_1095 = tpu.memref_squeeze %dma_wait3A_1094 : memref<1x16x128xf32, #tpu.memory_space<vmem>> -> memref<16x128xf32, #tpu.memory_space<vmem>>
      %dma_wait3A_1096 = arith.constant 0 : i32
      %dma_wait3A_1097 = arith.constant 0 : i32
      %dma_wait3A_1098 = tpu.memref_slice %arg4[%dma_wait3A_1096, %dma_wait3A_1097] : memref<16x1000000xf32, #tpu.memory_space<hbm>> -> memref<16x128xf32, #tpu.memory_space<hbm>>
      tpu.wait_dma2 semaphore(%arg16 : memref<!tpu.dma_semaphore, #tpu.memory_space<semaphore_mem>>) src(%dma_wait3A_1098 : memref<16x128xf32, #tpu.memory_space<hbm>>) dst(%dma_wait3A_1095 : memref<16x128xf32, #tpu.memory_space<vmem>>)
      %dma_wait3A_1099 = arith.constant 0 : i32
      %dma_wait3A_1100 = arith.constant 0 : i32
      %dma_wait3A_1101 = arith.constant 0 : i32
      %dma_wait3A_1102 = tpu.memref_slice %arg12[%dma_wait3A_1099, %dma_wait3A_1100, %dma_wait3A_1101] : memref<16x16x128xf32, #tpu.memory_space<vmem>> -> memref<1x16x128xf32, #tpu.memory_space<vmem>>
      %dma_wait3A_1103 = tpu.memref_squeeze %dma_wait3A_1102 : memref<1x16x128xf32, #tpu.memory_space<vmem>> -> memref<16x128xf32, #tpu.memory_space<vmem>>
      %dma_wait3A_1104 = arith.constant 0 : i32
      %dma_wait3A_1105 = arith.constant 0 : i32
      %dma_wait3A_1106 = tpu.memref_slice %arg5[%dma_wait3A_1104, %dma_wait3A_1105] : memref<16x1000000xf32, #tpu.memory_space<hbm>> -> memref<16x128xf32, #tpu.memory_space<hbm>>
      %dma_wait3A_1107 = arith.constant 0 : i32
      %dma_wait3A_1108 = arith.constant 0 : i32
      %dma_wait3A_1109 = tpu.memref_slice %arg12[%dma_wait3A_1099, %dma_wait3A_1107, %dma_wait3A_1108] : memref<16x16x128xf32, #tpu.memory_space<vmem>> -> memref<1x16x128xf32, #tpu.memory_space<vmem>>
      %dma_wait3A_1110 = tpu.memref_squeeze %dma_wait3A_1109 : memref<1x16x128xf32, #tpu.memory_space<vmem>> -> memref<16x128xf32, #tpu.memory_space<vmem>>
      %dma_wait3A_1111 = arith.constant 0 : i32
      %dma_wait3A_1112 = arith.constant 0 : i32
      %dma_wait3A_1113 = tpu.memref_slice %arg5[%dma_wait3A_1111, %dma_wait3A_1112] : memref<16x1000000xf32, #tpu.memory_space<hbm>> -> memref<16x128xf32, #tpu.memory_space<hbm>>
      tpu.wait_dma2 semaphore(%arg16 : memref<!tpu.dma_semaphore, #tpu.memory_space<semaphore_mem>>) src(%dma_wait3A_1113 : memref<16x128xf32, #tpu.memory_space<hbm>>) dst(%dma_wait3A_1110 : memref<16x128xf32, #tpu.memory_space<vmem>>)
      %dma_wait3A_1114 = arith.constant 0 : i32
      %dma_wait3A_1115 = arith.constant 0 : i32
      %dma_wait3A_1116 = arith.constant 0 : i32
      %dma_wait3A_1117 = tpu.memref_slice %arg11[%dma_wait3A_1114, %dma_wait3A_1115, %dma_wait3A_1116] : memref<16x16x128xf32, #tpu.memory_space<vmem>> -> memref<1x16x128xf32, #tpu.memory_space<vmem>>
      %dma_wait3A_1118 = tpu.memref_squeeze %dma_wait3A_1117 : memref<1x16x128xf32, #tpu.memory_space<vmem>> -> memref<16x128xf32, #tpu.memory_space<vmem>>
      %dma_wait3A_1119 = arith.constant 0 : i32
      %dma_wait3A_1120 = arith.constant 0 : i32
      %dma_wait3A_1121 = tpu.memref_slice %arg4[%dma_wait3A_1119, %dma_wait3A_1120] : memref<16x1000000xf32, #tpu.memory_space<hbm>> -> memref<16x128xf32, #tpu.memory_space<hbm>>
      %dma_wait3A_1122 = arith.constant 0 : i32
      %dma_wait3A_1123 = arith.constant 0 : i32
      %dma_wait3A_1124 = tpu.memref_slice %arg11[%dma_wait3A_1114, %dma_wait3A_1122, %dma_wait3A_1123] : memref<16x16x128xf32, #tpu.memory_space<vmem>> -> memref<1x16x128xf32, #tpu.memory_space<vmem>>
      %dma_wait3A_1125 = tpu.memref_squeeze %dma_wait3A_1124 : memref<1x16x128xf32, #tpu.memory_space<vmem>> -> memref<16x128xf32, #tpu.memory_space<vmem>>
      %dma_wait3A_1126 = arith.constant 0 : i32
      %dma_wait3A_1127 = arith.constant 0 : i32
      %dma_wait3A_1128 = tpu.memref_slice %arg4[%dma_wait3A_1126, %dma_wait3A_1127] : memref<16x1000000xf32, #tpu.memory_space<hbm>> -> memref<16x128xf32, #tpu.memory_space<hbm>>
      tpu.wait_dma2 semaphore(%arg16 : memref<!tpu.dma_semaphore, #tpu.memory_space<semaphore_mem>>) src(%dma_wait3A_1128 : memref<16x128xf32, #tpu.memory_space<hbm>>) dst(%dma_wait3A_1125 : memref<16x128xf32, #tpu.memory_space<vmem>>)
      %dma_wait3A_1129 = arith.constant 0 : i32
      %dma_wait3A_1130 = arith.constant 0 : i32
      %dma_wait3A_1131 = arith.constant 0 : i32
      %dma_wait3A_1132 = tpu.memref_slice %arg12[%dma_wait3A_1129, %dma_wait3A_1130, %dma_wait3A_1131] : memref<16x16x128xf32, #tpu.memory_space<vmem>> -> memref<1x16x128xf32, #tpu.memory_space<vmem>>
      %dma_wait3A_1133 = tpu.memref_squeeze %dma_wait3A_1132 : memref<1x16x128xf32, #tpu.memory_space<vmem>> -> memref<16x128xf32, #tpu.memory_space<vmem>>
      %dma_wait3A_1134 = arith.constant 0 : i32
      %dma_wait3A_1135 = arith.constant 0 : i32
      %dma_wait3A_1136 = tpu.memref_slice %arg5[%dma_wait3A_1134, %dma_wait3A_1135] : memref<16x1000000xf32, #tpu.memory_space<hbm>> -> memref<16x128xf32, #tpu.memory_space<hbm>>
      %dma_wait3A_1137 = arith.constant 0 : i32
      %dma_wait3A_1138 = arith.constant 0 : i32
      %dma_wait3A_1139 = tpu.memref_slice %arg12[%dma_wait3A_1129, %dma_wait3A_1137, %dma_wait3A_1138] : memref<16x16x128xf32, #tpu.memory_space<vmem>> -> memref<1x16x128xf32, #tpu.memory_space<vmem>>
      %dma_wait3A_1140 = tpu.memref_squeeze %dma_wait3A_1139 : memref<1x16x128xf32, #tpu.memory_space<vmem>> -> memref<16x128xf32, #tpu.memory_space<vmem>>
      %dma_wait3A_1141 = arith.constant 0 : i32
      %dma_wait3A_1142 = arith.constant 0 : i32
      %dma_wait3A_1143 = tpu.memref_slice %arg5[%dma_wait3A_1141, %dma_wait3A_1142] : memref<16x1000000xf32, #tpu.memory_space<hbm>> -> memref<16x128xf32, #tpu.memory_space<hbm>>
      tpu.wait_dma2 semaphore(%arg16 : memref<!tpu.dma_semaphore, #tpu.memory_space<semaphore_mem>>) src(%dma_wait3A_1143 : memref<16x128xf32, #tpu.memory_space<hbm>>) dst(%dma_wait3A_1140 : memref<16x128xf32, #tpu.memory_space<vmem>>)
      %dma_wait3A_1144 = arith.constant 0 : i32
      %dma_wait3A_1145 = arith.constant 0 : i32
      %dma_wait3A_1146 = arith.constant 0 : i32
      %dma_wait3A_1147 = tpu.memref_slice %arg11[%dma_wait3A_1144, %dma_wait3A_1145, %dma_wait3A_1146] : memref<16x16x128xf32, #tpu.memory_space<vmem>> -> memref<1x16x128xf32, #tpu.memory_space<vmem>>
      %dma_wait3A_1148 = tpu.memref_squeeze %dma_wait3A_1147 : memref<1x16x128xf32, #tpu.memory_space<vmem>> -> memref<16x128xf32, #tpu.memory_space<vmem>>
      %dma_wait3A_1149 = arith.constant 0 : i32
      %dma_wait3A_1150 = arith.constant 0 : i32
      %dma_wait3A_1151 = tpu.memref_slice %arg4[%dma_wait3A_1149, %dma_wait3A_1150] : memref<16x1000000xf32, #tpu.memory_space<hbm>> -> memref<16x128xf32, #tpu.memory_space<hbm>>
      %dma_wait3A_1152 = arith.constant 0 : i32
      %dma_wait3A_1153 = arith.constant 0 : i32
      %dma_wait3A_1154 = tpu.memref_slice %arg11[%dma_wait3A_1144, %dma_wait3A_1152, %dma_wait3A_1153] : memref<16x16x128xf32, #tpu.memory_space<vmem>> -> memref<1x16x128xf32, #tpu.memory_space<vmem>>
      %dma_wait3A_1155 = tpu.memref_squeeze %dma_wait3A_1154 : memref<1x16x128xf32, #tpu.memory_space<vmem>> -> memref<16x128xf32, #tpu.memory_space<vmem>>
      %dma_wait3A_1156 = arith.constant 0 : i32
      %dma_wait3A_1157 = arith.constant 0 : i32
      %dma_wait3A_1158 = tpu.memref_slice %arg4[%dma_wait3A_1156, %dma_wait3A_1157] : memref<16x1000000xf32, #tpu.memory_space<hbm>> -> memref<16x128xf32, #tpu.memory_space<hbm>>
      tpu.wait_dma2 semaphore(%arg16 : memref<!tpu.dma_semaphore, #tpu.memory_space<semaphore_mem>>) src(%dma_wait3A_1158 : memref<16x128xf32, #tpu.memory_space<hbm>>) dst(%dma_wait3A_1155 : memref<16x128xf32, #tpu.memory_space<vmem>>)
      %dma_wait3A_1159 = arith.constant 0 : i32
      %dma_wait3A_1160 = arith.constant 0 : i32
      %dma_wait3A_1161 = arith.constant 0 : i32
      %dma_wait3A_1162 = tpu.memref_slice %arg12[%dma_wait3A_1159, %dma_wait3A_1160, %dma_wait3A_1161] : memref<16x16x128xf32, #tpu.memory_space<vmem>> -> memref<1x16x128xf32, #tpu.memory_space<vmem>>
      %dma_wait3A_1163 = tpu.memref_squeeze %dma_wait3A_1162 : memref<1x16x128xf32, #tpu.memory_space<vmem>> -> memref<16x128xf32, #tpu.memory_space<vmem>>
      %dma_wait3A_1164 = arith.constant 0 : i32
      %dma_wait3A_1165 = arith.constant 0 : i32
      %dma_wait3A_1166 = tpu.memref_slice %arg5[%dma_wait3A_1164, %dma_wait3A_1165] : memref<16x1000000xf32, #tpu.memory_space<hbm>> -> memref<16x128xf32, #tpu.memory_space<hbm>>
      %dma_wait3A_1167 = arith.constant 0 : i32
      %dma_wait3A_1168 = arith.constant 0 : i32
      %dma_wait3A_1169 = tpu.memref_slice %arg12[%dma_wait3A_1159, %dma_wait3A_1167, %dma_wait3A_1168] : memref<16x16x128xf32, #tpu.memory_space<vmem>> -> memref<1x16x128xf32, #tpu.memory_space<vmem>>
      %dma_wait3A_1170 = tpu.memref_squeeze %dma_wait3A_1169 : memref<1x16x128xf32, #tpu.memory_space<vmem>> -> memref<16x128xf32, #tpu.memory_space<vmem>>
      %dma_wait3A_1171 = arith.constant 0 : i32
      %dma_wait3A_1172 = arith.constant 0 : i32
      %dma_wait3A_1173 = tpu.memref_slice %arg5[%dma_wait3A_1171, %dma_wait3A_1172] : memref<16x1000000xf32, #tpu.memory_space<hbm>> -> memref<16x128xf32, #tpu.memory_space<hbm>>
      tpu.wait_dma2 semaphore(%arg16 : memref<!tpu.dma_semaphore, #tpu.memory_space<semaphore_mem>>) src(%dma_wait3A_1173 : memref<16x128xf32, #tpu.memory_space<hbm>>) dst(%dma_wait3A_1170 : memref<16x128xf32, #tpu.memory_space<vmem>>)
      %dma_wait3A_1174 = arith.constant 0 : i32
      %dma_wait3A_1175 = arith.constant 0 : i32
      %dma_wait3A_1176 = arith.constant 0 : i32
      %dma_wait3A_1177 = tpu.memref_slice %arg11[%dma_wait3A_1174, %dma_wait3A_1175, %dma_wait3A_1176] : memref<16x16x128xf32, #tpu.memory_space<vmem>> -> memref<1x16x128xf32, #tpu.memory_space<vmem>>
      %dma_wait3A_1178 = tpu.memref_squeeze %dma_wait3A_1177 : memref<1x16x128xf32, #tpu.memory_space<vmem>> -> memref<16x128xf32, #tpu.memory_space<vmem>>
      %dma_wait3A_1179 = arith.constant 0 : i32
      %dma_wait3A_1180 = arith.constant 0 : i32
      %dma_wait3A_1181 = tpu.memref_slice %arg4[%dma_wait3A_1179, %dma_wait3A_1180] : memref<16x1000000xf32, #tpu.memory_space<hbm>> -> memref<16x128xf32, #tpu.memory_space<hbm>>
      %dma_wait3A_1182 = arith.constant 0 : i32
      %dma_wait3A_1183 = arith.constant 0 : i32
      %dma_wait3A_1184 = tpu.memref_slice %arg11[%dma_wait3A_1174, %dma_wait3A_1182, %dma_wait3A_1183] : memref<16x16x128xf32, #tpu.memory_space<vmem>> -> memref<1x16x128xf32, #tpu.memory_space<vmem>>
      %dma_wait3A_1185 = tpu.memref_squeeze %dma_wait3A_1184 : memref<1x16x128xf32, #tpu.memory_space<vmem>> -> memref<16x128xf32, #tpu.memory_space<vmem>>
      %dma_wait3A_1186 = arith.constant 0 : i32
      %dma_wait3A_1187 = arith.constant 0 : i32
      %dma_wait3A_1188 = tpu.memref_slice %arg4[%dma_wait3A_1186, %dma_wait3A_1187] : memref<16x1000000xf32, #tpu.memory_space<hbm>> -> memref<16x128xf32, #tpu.memory_space<hbm>>
      tpu.wait_dma2 semaphore(%arg16 : memref<!tpu.dma_semaphore, #tpu.memory_space<semaphore_mem>>) src(%dma_wait3A_1188 : memref<16x128xf32, #tpu.memory_space<hbm>>) dst(%dma_wait3A_1185 : memref<16x128xf32, #tpu.memory_space<vmem>>)
      %dma_wait3A_1189 = arith.constant 0 : i32
      %dma_wait3A_1190 = arith.constant 0 : i32
      %dma_wait3A_1191 = arith.constant 0 : i32
      %dma_wait3A_1192 = tpu.memref_slice %arg12[%dma_wait3A_1189, %dma_wait3A_1190, %dma_wait3A_1191] : memref<16x16x128xf32, #tpu.memory_space<vmem>> -> memref<1x16x128xf32, #tpu.memory_space<vmem>>
      %dma_wait3A_1193 = tpu.memref_squeeze %dma_wait3A_1192 : memref<1x16x128xf32, #tpu.memory_space<vmem>> -> memref<16x128xf32, #tpu.memory_space<vmem>>
      %dma_wait3A_1194 = arith.constant 0 : i32
      %dma_wait3A_1195 = arith.constant 0 : i32
      %dma_wait3A_1196 = tpu.memref_slice %arg5[%dma_wait3A_1194, %dma_wait3A_1195] : memref<16x1000000xf32, #tpu.memory_space<hbm>> -> memref<16x128xf32, #tpu.memory_space<hbm>>
      %dma_wait3A_1197 = arith.constant 0 : i32
      %dma_wait3A_1198 = arith.constant 0 : i32
      %dma_wait3A_1199 = tpu.memref_slice %arg12[%dma_wait3A_1189, %dma_wait3A_1197, %dma_wait3A_1198] : memref<16x16x128xf32, #tpu.memory_space<vmem>> -> memref<1x16x128xf32, #tpu.memory_space<vmem>>
      %dma_wait3A_1200 = tpu.memref_squeeze %dma_wait3A_1199 : memref<1x16x128xf32, #tpu.memory_space<vmem>> -> memref<16x128xf32, #tpu.memory_space<vmem>>
      %dma_wait3A_1201 = arith.constant 0 : i32
      %dma_wait3A_1202 = arith.constant 0 : i32
      %dma_wait3A_1203 = tpu.memref_slice %arg5[%dma_wait3A_1201, %dma_wait3A_1202] : memref<16x1000000xf32, #tpu.memory_space<hbm>> -> memref<16x128xf32, #tpu.memory_space<hbm>>
      tpu.wait_dma2 semaphore(%arg16 : memref<!tpu.dma_semaphore, #tpu.memory_space<semaphore_mem>>) src(%dma_wait3A_1203 : memref<16x128xf32, #tpu.memory_space<hbm>>) dst(%dma_wait3A_1200 : memref<16x128xf32, #tpu.memory_space<vmem>>)
      %mul3A_1204 = arith.constant 16 : i32
      %mul3A_1205 = arith.muli %scan3A_198, %mul3A_1204 : i32
      %get3A_1206 = arith.index_cast %mul3A_1205 : i32 to index
      %get3A_1207 = tpu.vector_load %arg9[%get3A_1206] {strides = array<i32>} : memref<512xi32, #tpu.memory_space<vmem>>, vector<16xi32>,
      %and3A = arith.constant 127 : i32
      %and3A_1208 = vector.broadcast %and3A : i32 to vector<16xi32>
      %and3A_1209 = arith.andi %get3A_1207, %and3A_1208 : vector<16xi32>
      %get3A_1210 = arith.index_cast %mul3A_1205 : i32 to index
      %get3A_1211 = tpu.vector_load %arg10[%get3A_1210] {strides = array<i32>} : memref<512xi32, #tpu.memory_space<vmem>>, vector<16xi32>,
      %and3A_1212 = arith.constant 127 : i32
      %and3A_1213 = vector.broadcast %and3A_1212 : i32 to vector<16xi32>
      %and3A_1214 = arith.andi %get3A_1211, %and3A_1213 : vector<16xi32>
      %broadcast_in_dim3A_1215 = arith.constant 0 : i32
      %broadcast_in_dim3A_1216 = vector.broadcast %broadcast_in_dim3A_1215 : i32 to vector<16xi32>
      %gather3A_1217 = tpu.vector_load_idx %arg11[%iota3A, %broadcast_in_dim3A_1216, %and3A_1209] : memref<16x16x128xf32, #tpu.memory_space<vmem>>[vector<16xi32>, vector<16xi32>, vector<16xi32>], vector<16xf32>,
      %gather3A_1218 = tpu.vector_load_idx %arg12[%iota3A, %broadcast_in_dim3A_1216, %and3A_1214] : memref<16x16x128xf32, #tpu.memory_space<vmem>>[vector<16xi32>, vector<16xi32>, vector<16xi32>], vector<16xf32>,
      %mul3A_1219 = arith.mulf %gather3A_1217, %gather3A_1218 : vector<16xf32>
      %mul3A_1220 = arith.mulf %mul3A_1219, %gather3A_12 : vector<16xf32>
      %add3A_1221 = arith.addf %get3A_5, %mul3A_1220 : vector<16xf32>
      %broadcast_in_dim3A_1222 = arith.constant 1 : i32
      %broadcast_in_dim3A_1223 = vector.broadcast %broadcast_in_dim3A_1222 : i32 to vector<16xi32>
      %gather3A_1224 = tpu.vector_load_idx %arg11[%iota3A, %broadcast_in_dim3A_1223, %and3A_1209] : memref<16x16x128xf32, #tpu.memory_space<vmem>>[vector<16xi32>, vector<16xi32>, vector<16xi32>], vector<16xf32>,
      %gather3A_1225 = tpu.vector_load_idx %arg12[%iota3A, %broadcast_in_dim3A_1223, %and3A_1214] : memref<16x16x128xf32, #tpu.memory_space<vmem>>[vector<16xi32>, vector<16xi32>, vector<16xi32>], vector<16xf32>,
      %mul3A_1226 = arith.mulf %gather3A_1224, %gather3A_1225 : vector<16xf32>
      %mul3A_1227 = arith.mulf %mul3A_1226, %gather3A_24 : vector<16xf32>
      %add3A_1228 = arith.addf %add3A_1221, %mul3A_1227 : vector<16xf32>
      %broadcast_in_dim3A_1229 = arith.constant 2 : i32
      %broadcast_in_dim3A_1230 = vector.broadcast %broadcast_in_dim3A_1229 : i32 to vector<16xi32>
      %gather3A_1231 = tpu.vector_load_idx %arg11[%iota3A, %broadcast_in_dim3A_1230, %and3A_1209] : memref<16x16x128xf32, #tpu.memory_space<vmem>>[vector<16xi32>, vector<16xi32>, vector<16xi32>], vector<16xf32>,
      %gather3A_1232 = tpu.vector_load_idx %arg12[%iota3A, %broadcast_in_dim3A_1230, %and3A_1214] : memref<16x16x128xf32, #tpu.memory_space<vmem>>[vector<16xi32>, vector<16xi32>, vector<16xi32>], vector<16xf32>,
      %mul3A_1233 = arith.mulf %gather3A_1231, %gather3A_1232 : vector<16xf32>
      %mul3A_1234 = arith.mulf %mul3A_1233, %gather3A_36 : vector<16xf32>
      %add3A_1235 = arith.addf %add3A_1228, %mul3A_1234 : vector<16xf32>
      %broadcast_in_dim3A_1236 = arith.constant 3 : i32
      %broadcast_in_dim3A_1237 = vector.broadcast %broadcast_in_dim3A_1236 : i32 to vector<16xi32>
      %gather3A_1238 = tpu.vector_load_idx %arg11[%iota3A, %broadcast_in_dim3A_1237, %and3A_1209] : memref<16x16x128xf32, #tpu.memory_space<vmem>>[vector<16xi32>, vector<16xi32>, vector<16xi32>], vector<16xf32>,
      %gather3A_1239 = tpu.vector_load_idx %arg12[%iota3A, %broadcast_in_dim3A_1237, %and3A_1214] : memref<16x16x128xf32, #tpu.memory_space<vmem>>[vector<16xi32>, vector<16xi32>, vector<16xi32>], vector<16xf32>,
      %mul3A_1240 = arith.mulf %gather3A_1238, %gather3A_1239 : vector<16xf32>
      %mul3A_1241 = arith.mulf %mul3A_1240, %gather3A_48 : vector<16xf32>
      %add3A_1242 = arith.addf %add3A_1235, %mul3A_1241 : vector<16xf32>
      %broadcast_in_dim3A_1243 = arith.constant 4 : i32
      %broadcast_in_dim3A_1244 = vector.broadcast %broadcast_in_dim3A_1243 : i32 to vector<16xi32>
      %gather3A_1245 = tpu.vector_load_idx %arg11[%iota3A, %broadcast_in_dim3A_1244, %and3A_1209] : memref<16x16x128xf32, #tpu.memory_space<vmem>>[vector<16xi32>, vector<16xi32>, vector<16xi32>], vector<16xf32>,
      %gather3A_1246 = tpu.vector_load_idx %arg12[%iota3A, %broadcast_in_dim3A_1244, %and3A_1214] : memref<16x16x128xf32, #tpu.memory_space<vmem>>[vector<16xi32>, vector<16xi32>, vector<16xi32>], vector<16xf32>,
      %mul3A_1247 = arith.mulf %gather3A_1245, %gather3A_1246 : vector<16xf32>
      %mul3A_1248 = arith.mulf %mul3A_1247, %gather3A_60 : vector<16xf32>
      %add3A_1249 = arith.addf %add3A_1242, %mul3A_1248 : vector<16xf32>
      %broadcast_in_dim3A_1250 = arith.constant 5 : i32
      %broadcast_in_dim3A_1251 = vector.broadcast %broadcast_in_dim3A_1250 : i32 to vector<16xi32>
      %gather3A_1252 = tpu.vector_load_idx %arg11[%iota3A, %broadcast_in_dim3A_1251, %and3A_1209] : memref<16x16x128xf32, #tpu.memory_space<vmem>>[vector<16xi32>, vector<16xi32>, vector<16xi32>], vector<16xf32>,
      %gather3A_1253 = tpu.vector_load_idx %arg12[%iota3A, %broadcast_in_dim3A_1251, %and3A_1214] : memref<16x16x128xf32, #tpu.memory_space<vmem>>[vector<16xi32>, vector<16xi32>, vector<16xi32>], vector<16xf32>,
      %mul3A_1254 = arith.mulf %gather3A_1252, %gather3A_1253 : vector<16xf32>
      %mul3A_1255 = arith.mulf %mul3A_1254, %gather3A_72 : vector<16xf32>
      %add3A_1256 = arith.addf %add3A_1249, %mul3A_1255 : vector<16xf32>
      %broadcast_in_dim3A_1257 = arith.constant 6 : i32
      %broadcast_in_dim3A_1258 = vector.broadcast %broadcast_in_dim3A_1257 : i32 to vector<16xi32>
      %gather3A_1259 = tpu.vector_load_idx %arg11[%iota3A, %broadcast_in_dim3A_1258, %and3A_1209] : memref<16x16x128xf32, #tpu.memory_space<vmem>>[vector<16xi32>, vector<16xi32>, vector<16xi32>], vector<16xf32>,
      %gather3A_1260 = tpu.vector_load_idx %arg12[%iota3A, %broadcast_in_dim3A_1258, %and3A_1214] : memref<16x16x128xf32, #tpu.memory_space<vmem>>[vector<16xi32>, vector<16xi32>, vector<16xi32>], vector<16xf32>,
      %mul3A_1261 = arith.mulf %gather3A_1259, %gather3A_1260 : vector<16xf32>
      %mul3A_1262 = arith.mulf %mul3A_1261, %gather3A_84 : vector<16xf32>
      %add3A_1263 = arith.addf %add3A_1256, %mul3A_1262 : vector<16xf32>
      %broadcast_in_dim3A_1264 = arith.constant 7 : i32
      %broadcast_in_dim3A_1265 = vector.broadcast %broadcast_in_dim3A_1264 : i32 to vector<16xi32>
      %gather3A_1266 = tpu.vector_load_idx %arg11[%iota3A, %broadcast_in_dim3A_1265, %and3A_1209] : memref<16x16x128xf32, #tpu.memory_space<vmem>>[vector<16xi32>, vector<16xi32>, vector<16xi32>], vector<16xf32>,
      %gather3A_1267 = tpu.vector_load_idx %arg12[%iota3A, %broadcast_in_dim3A_1265, %and3A_1214] : memref<16x16x128xf32, #tpu.memory_space<vmem>>[vector<16xi32>, vector<16xi32>, vector<16xi32>], vector<16xf32>,
      %mul3A_1268 = arith.mulf %gather3A_1266, %gather3A_1267 : vector<16xf32>
      %mul3A_1269 = arith.mulf %mul3A_1268, %gather3A_96 : vector<16xf32>
      %add3A_1270 = arith.addf %add3A_1263, %mul3A_1269 : vector<16xf32>
      %broadcast_in_dim3A_1271 = arith.constant 8 : i32
      %broadcast_in_dim3A_1272 = vector.broadcast %broadcast_in_dim3A_1271 : i32 to vector<16xi32>
      %gather3A_1273 = tpu.vector_load_idx %arg11[%iota3A, %broadcast_in_dim3A_1272, %and3A_1209] : memref<16x16x128xf32, #tpu.memory_space<vmem>>[vector<16xi32>, vector<16xi32>, vector<16xi32>], vector<16xf32>,
      %gather3A_1274 = tpu.vector_load_idx %arg12[%iota3A, %broadcast_in_dim3A_1272, %and3A_1214] : memref<16x16x128xf32, #tpu.memory_space<vmem>>[vector<16xi32>, vector<16xi32>, vector<16xi32>], vector<16xf32>,
      %mul3A_1275 = arith.mulf %gather3A_1273, %gather3A_1274 : vector<16xf32>
      %mul3A_1276 = arith.mulf %mul3A_1275, %gather3A_108 : vector<16xf32>
      %add3A_1277 = arith.addf %add3A_1270, %mul3A_1276 : vector<16xf32>
      %broadcast_in_dim3A_1278 = arith.constant 9 : i32
      %broadcast_in_dim3A_1279 = vector.broadcast %broadcast_in_dim3A_1278 : i32 to vector<16xi32>
      %gather3A_1280 = tpu.vector_load_idx %arg11[%iota3A, %broadcast_in_dim3A_1279, %and3A_1209] : memref<16x16x128xf32, #tpu.memory_space<vmem>>[vector<16xi32>, vector<16xi32>, vector<16xi32>], vector<16xf32>,
      %gather3A_1281 = tpu.vector_load_idx %arg12[%iota3A, %broadcast_in_dim3A_1279, %and3A_1214] : memref<16x16x128xf32, #tpu.memory_space<vmem>>[vector<16xi32>, vector<16xi32>, vector<16xi32>], vector<16xf32>,
      %mul3A_1282 = arith.mulf %gather3A_1280, %gather3A_1281 : vector<16xf32>
      %mul3A_1283 = arith.mulf %mul3A_1282, %gather3A_120 : vector<16xf32>
      %add3A_1284 = arith.addf %add3A_1277, %mul3A_1283 : vector<16xf32>
      %broadcast_in_dim3A_1285 = arith.constant 10 : i32
      %broadcast_in_dim3A_1286 = vector.broadcast %broadcast_in_dim3A_1285 : i32 to vector<16xi32>
      %gather3A_1287 = tpu.vector_load_idx %arg11[%iota3A, %broadcast_in_dim3A_1286, %and3A_1209] : memref<16x16x128xf32, #tpu.memory_space<vmem>>[vector<16xi32>, vector<16xi32>, vector<16xi32>], vector<16xf32>,
      %gather3A_1288 = tpu.vector_load_idx %arg12[%iota3A, %broadcast_in_dim3A_1286, %and3A_1214] : memref<16x16x128xf32, #tpu.memory_space<vmem>>[vector<16xi32>, vector<16xi32>, vector<16xi32>], vector<16xf32>,
      %mul3A_1289 = arith.mulf %gather3A_1287, %gather3A_1288 : vector<16xf32>
      %mul3A_1290 = arith.mulf %mul3A_1289, %gather3A_132 : vector<16xf32>
      %add3A_1291 = arith.addf %add3A_1284, %mul3A_1290 : vector<16xf32>
      %broadcast_in_dim3A_1292 = arith.constant 11 : i32
      %broadcast_in_dim3A_1293 = vector.broadcast %broadcast_in_dim3A_1292 : i32 to vector<16xi32>
      %gather3A_1294 = tpu.vector_load_idx %arg11[%iota3A, %broadcast_in_dim3A_1293, %and3A_1209] : memref<16x16x128xf32, #tpu.memory_space<vmem>>[vector<16xi32>, vector<16xi32>, vector<16xi32>], vector<16xf32>,
      %gather3A_1295 = tpu.vector_load_idx %arg12[%iota3A, %broadcast_in_dim3A_1293, %and3A_1214] : memref<16x16x128xf32, #tpu.memory_space<vmem>>[vector<16xi32>, vector<16xi32>, vector<16xi32>], vector<16xf32>,
      %mul3A_1296 = arith.mulf %gather3A_1294, %gather3A_1295 : vector<16xf32>
      %mul3A_1297 = arith.mulf %mul3A_1296, %gather3A_144 : vector<16xf32>
      %add3A_1298 = arith.addf %add3A_1291, %mul3A_1297 : vector<16xf32>
      %broadcast_in_dim3A_1299 = arith.constant 12 : i32
      %broadcast_in_dim3A_1300 = vector.broadcast %broadcast_in_dim3A_1299 : i32 to vector<16xi32>
      %gather3A_1301 = tpu.vector_load_idx %arg11[%iota3A, %broadcast_in_dim3A_1300, %and3A_1209] : memref<16x16x128xf32, #tpu.memory_space<vmem>>[vector<16xi32>, vector<16xi32>, vector<16xi32>], vector<16xf32>,
      %gather3A_1302 = tpu.vector_load_idx %arg12[%iota3A, %broadcast_in_dim3A_1300, %and3A_1214] : memref<16x16x128xf32, #tpu.memory_space<vmem>>[vector<16xi32>, vector<16xi32>, vector<16xi32>], vector<16xf32>,
      %mul3A_1303 = arith.mulf %gather3A_1301, %gather3A_1302 : vector<16xf32>
      %mul3A_1304 = arith.mulf %mul3A_1303, %gather3A_156 : vector<16xf32>
      %add3A_1305 = arith.addf %add3A_1298, %mul3A_1304 : vector<16xf32>
      %broadcast_in_dim3A_1306 = arith.constant 13 : i32
      %broadcast_in_dim3A_1307 = vector.broadcast %broadcast_in_dim3A_1306 : i32 to vector<16xi32>
      %gather3A_1308 = tpu.vector_load_idx %arg11[%iota3A, %broadcast_in_dim3A_1307, %and3A_1209] : memref<16x16x128xf32, #tpu.memory_space<vmem>>[vector<16xi32>, vector<16xi32>, vector<16xi32>], vector<16xf32>,
      %gather3A_1309 = tpu.vector_load_idx %arg12[%iota3A, %broadcast_in_dim3A_1307, %and3A_1214] : memref<16x16x128xf32, #tpu.memory_space<vmem>>[vector<16xi32>, vector<16xi32>, vector<16xi32>], vector<16xf32>,
      %mul3A_1310 = arith.mulf %gather3A_1308, %gather3A_1309 : vector<16xf32>
      %mul3A_1311 = arith.mulf %mul3A_1310, %gather3A_168 : vector<16xf32>
      %add3A_1312 = arith.addf %add3A_1305, %mul3A_1311 : vector<16xf32>
      %broadcast_in_dim3A_1313 = arith.constant 14 : i32
      %broadcast_in_dim3A_1314 = vector.broadcast %broadcast_in_dim3A_1313 : i32 to vector<16xi32>
      %gather3A_1315 = tpu.vector_load_idx %arg11[%iota3A, %broadcast_in_dim3A_1314, %and3A_1209] : memref<16x16x128xf32, #tpu.memory_space<vmem>>[vector<16xi32>, vector<16xi32>, vector<16xi32>], vector<16xf32>,
      %gather3A_1316 = tpu.vector_load_idx %arg12[%iota3A, %broadcast_in_dim3A_1314, %and3A_1214] : memref<16x16x128xf32, #tpu.memory_space<vmem>>[vector<16xi32>, vector<16xi32>, vector<16xi32>], vector<16xf32>,
      %mul3A_1317 = arith.mulf %gather3A_1315, %gather3A_1316 : vector<16xf32>
      %mul3A_1318 = arith.mulf %mul3A_1317, %gather3A_180 : vector<16xf32>
      %add3A_1319 = arith.addf %add3A_1312, %mul3A_1318 : vector<16xf32>
      %broadcast_in_dim3A_1320 = arith.constant 15 : i32
      %broadcast_in_dim3A_1321 = vector.broadcast %broadcast_in_dim3A_1320 : i32 to vector<16xi32>
      %gather3A_1322 = tpu.vector_load_idx %arg11[%iota3A, %broadcast_in_dim3A_1321, %and3A_1209] : memref<16x16x128xf32, #tpu.memory_space<vmem>>[vector<16xi32>, vector<16xi32>, vector<16xi32>], vector<16xf32>,
      %gather3A_1323 = tpu.vector_load_idx %arg12[%iota3A, %broadcast_in_dim3A_1321, %and3A_1214] : memref<16x16x128xf32, #tpu.memory_space<vmem>>[vector<16xi32>, vector<16xi32>, vector<16xi32>], vector<16xf32>,
      %mul3A_1324 = arith.mulf %gather3A_1322, %gather3A_1323 : vector<16xf32>
      %mul3A_1325 = arith.mulf %mul3A_1324, %gather3A_192 : vector<16xf32>
      %add3A_1326 = arith.addf %add3A_1319, %mul3A_1325 : vector<16xf32>
      %swap3A = arith.index_cast %mul3A_1205 : i32 to index
      %swap3A_1327 = tpu.vector_load %arg15[%swap3A] {strides = array<i32>} : memref<512xf32, #tpu.memory_space<vmem>>, vector<16xf32>,
      tpu.vector_store %arg15[%swap3A], %add3A_1326 {strides = array<i32>} : memref<512xf32, #tpu.memory_space<vmem>>, vector<16xf32>,
    }
    %scan3A_197 = arith.constant 32 : i32
    "tpu.region"() ({
      %run_scoped3A = tpu.sem_alloc : memref<!tpu.dma_semaphore, #tpu.memory_space<semaphore_mem>>
      %dma_start3A = tpu.memref_slice %arg8[%mul3A_2] : memref<16384xf32, #tpu.memory_space<hbm>> -> memref<512xf32, #tpu.memory_space<hbm>>
      %dma_start3A_198 = tpu.memref_slice %arg8[%mul3A_2] : memref<16384xf32, #tpu.memory_space<hbm>> -> memref<512xf32, #tpu.memory_space<hbm>>
      tpu.enqueue_dma source(%arg15 : memref<512xf32, #tpu.memory_space<vmem>>) target(%dma_start3A_198 : memref<512xf32, #tpu.memory_space<hbm>>) target_semaphore(%run_scoped3A : memref<!tpu.dma_semaphore, #tpu.memory_space<semaphore_mem>>)
      %dma_wait3A = tpu.memref_slice %arg8[%mul3A_2] : memref<16384xf32, #tpu.memory_space<hbm>> -> memref<512xf32, #tpu.memory_space<hbm>>
      %dma_wait3A_199 = tpu.memref_slice %arg8[%mul3A_2] : memref<16384xf32, #tpu.memory_space<hbm>> -> memref<512xf32, #tpu.memory_space<hbm>>
      tpu.wait_dma2 semaphore(%run_scoped3A : memref<!tpu.dma_semaphore, #tpu.memory_space<semaphore_mem>>) src(%arg15 : memref<512xf32, #tpu.memory_space<vmem>>) dst(%dma_wait3A_199 : memref<512xf32, #tpu.memory_space<hbm>>)
      tpu.yield
    }) : () -> ()
    return
  }
}

</mosaic_0001>

<sc_bundles>
// kernel: _mf_call.3.cloned.1.call-start
scs
__scs_entry_jumppad:
0x0: {  	(pc) =	sbr.rel $0x88, $3  }
0x1: {  	(tag) =	ssettag $0x0;
	lr =	simm.s32 $0x1  }
0x2: {  	[smem:$0x3F9B] =	sst lr;
	_ =	strace $0xD0000000  }
0x3: {  	_ = 	snop  }
0x4: {  	_ = 	snop  }
0x5: {  	_ = 	snop  }
0x6: {  	_ = 	snop  }
0x7: {  	_ = 	snop  }
__scs_overlays_trampoline_lowered:
0x8: {  	[smem:$0x3FAA] =	sst s0  }
0x9: {  	[smem:$0x3FAB] =	sst s1  }
0xa: {  	[smem:$0x3FAC] =	sst s2  }
0xb: {  	[smem:$0x3FAD] =	sst s3  }
0xc: {  	[smem:$0x3FAE] =	sst s4  }
0xd: {  	[smem:$0x3FAF] =	sst s5  }
0xe: {  	[smem:$0x3FB0] =	sst s6  }
0xf: {  	[smem:$0x3FB1] =	sst s7  }
0x10: {  	[smem:$0x3FB2] =	sst s8  }
0x11: {  	[smem:$0x3FB3] =	sst s9;
	s0 =	simm.s32 @!p0 $0x0  }
0x12: {  	s1 =	sld [smem:$0x3F99];
	s0 =	simm.s32 @p0 $0x1  }
0x13: {  	[smem:$0x3FB4] =	sst s0;
	s0 =	simm.s32 @!p1 $0x0  }
0x14: {  	s2 =	sld [smem:$0x3F98];
	s0 =	simm.s32 @p1 $0x1  }
0x15: {  	[smem:$0x3FB5] =	sst s0;
	s0 =	simm.s32 @!p2 $0x0  }
0x16: {  	s3 =	sld [smem:$0x3FDB];
	s0 =	simm.s32 @p2 $0x1  }
0x17: {  	s4 =	simm.s32 $0x1BF5;
	[smem:$0x3FB7] =	sst s0  }
0x18: {  	s0 =	sld [smem:$0x3F9A];
	_ =	swait.ge [sflag:s4], $0x0  }
0x19: {  	s7 =	sld [smem:$0x3F9B]  }
0x1a: {  	s8 =	sadd.s32 $0xFFFFE003, lr  }
0x1b: {  	s9 =	sadd.s32 $0xFFFFFEF7, lr;
	s5 =	simm.s32 $0xFFFFFFFF;
	p2 =	slt.u32 s8, $0xFFFFF086  }
0x1c: {  	p1 =	slt.u32 s9, $0xF7A;
	s5 =	simm.s32 @!p2 $0x0  }
0x1d: {  	s5 =	simm.s32 @p1 $0x1;
	p0 =	seq.s32 s7, s2  }
0x1e: {  	s7 =	smul.u32 @!p0 $0xF7A, s2;
	p2 =	seq.s32 @!p0 s5, $0x0  }
0x1f: {  	s9 =	smul.u32 $0xF7A, s1;
	s8 =	simm.s32 @!p0 $0x1BF5;
	p2 =	por !p2, p0  }
0x20: {  	[sflag:s8] =	ssyncset.s32 @!p0 $0xFFFFF086;
	s6 =	sadd.s32 @!p0 s3, s7;
	s7 =	simm.s32 @!p0 $0x108  }
0x21: {  	s3 =	sadd.s32 s3, s9;
	s6 =	sadd.s32 @!p0 $0x88, s6;
	s7 =	simm.s32 @p2 $0x1082  }
0x22: {  	[simem:s7], [sflag:s8] =	dma.local @!p0 [hbm:s6], $0xF7A  }
0x23: {  	s9 =	sor.u32 $0xD0000000, s2;
	s6 =	simm.s32 $0x108;
	_ =	swait.ge @!p0 [sflag:s8], $0x0  }
0x24: {  	s3 =	sadd.s32 $0x88, s3;
	s6 =	simm.s32 @!p1 $0x1082;
	[sflag:s4] =	ssyncset.s32 $0xFFFFF086  }
0x25: {  	[simem:s6], [sflag:s4] =	dma.local [hbm:s3], $0xF7A  }
0x26: {  	[smem:$0x3F9B] =	sst s1;
	(tag) =	ssettag s2;
	_ =	strace s9  }
0x27: {  	s1 =	sld [smem:$0x3FAB]  }
0x28: {  	s2 =	sld [smem:$0x3FAC]  }
0x29: {  	s4 =	sld [smem:$0x3FAE]  }
0x2a: {  	p0 =	seq.s32 s5, $0x0;
	s5 =	sld [smem:$0x3FAF]  }
0x2b: {  	s6 =	sld [smem:$0x3FB0]  }
0x2c: {  	s7 =	sld [smem:$0x3FB1]  }
0x2d: {  	s3 =	simm.s32 $0x108;
	s8 =	sld [smem:$0x3FB2]  }
0x2e: {  	s3 =	simm.s32 @!p0 $0x1082;
	s9 =	sld [smem:$0x3FB3]  }
0x2f: {  	lr =	sadd.s32 s0, s3;
	s0 =	sld [smem:$0x3FAA]  }
0x30: {  	s3 =	sld [smem:$0x3FAD]  }
0x31: {  	[smem:$0x3FB6] =	sst s10  }
0x32: {  	s10 =	sld [smem:$0x3FB4];
	_ =	sdelay $0x3  }
0x33: {  	p0 =	seq.s32 s10, $0x1;
	s10 =	sld [smem:$0x3FB6];
	_ =	sdelay $0x3  }
0x34: {  	[smem:$0x3FB6] =	sst s10  }
0x35: {  	s10 =	sld [smem:$0x3FB5];
	_ =	sdelay $0x3  }
0x36: {  	p1 =	seq.s32 s10, $0x1;
	s10 =	sld [smem:$0x3FB6];
	_ =	sdelay $0x3  }
0x37: {  	[smem:$0x3FB6] =	sst s10  }
0x38: {  	s10 =	sld [smem:$0x3FB7]  }
0x39: {  	_ = 	snop;
	(pc) =	sbr.ind lr, $3  }
0x3a: {  	_ = 	snop  }
0x3b: {  	_ = 	snop  }
0x3c: {  	p2 =	seq.s32 s10, $0x1;
	s10 =	sld [smem:$0x3FB6]  }
0x3d: {  	_ =	shalt  }
0x3e: {  	_ =	shalt  }
0x3f: {  	_ =	shalt  }
0x40: {  	_ =	shalt  }
0x41: {  	_ =	shalt  }
0x42: {  	_ =	shalt  }
0x43: {  	_ =	shalt  }
0x44: {  	_ =	shalt  }
0x45: {  	_ =	shalt  }
0x46: {  	_ =	shalt  }
0x47: {  	_ =	shalt  }
0x48: {  	_ =	shalt  }
0x49: {  	_ =	shalt  }
0x4a: {  	_ =	shalt  }
0x4b: {  	_ =	shalt  }
0x4c: {  	_ =	shalt  }
0x4d: {  	_ =	shalt  }
0x4e: {  	_ =	shalt  }
0x4f: {  	_ =	shalt  }
0x50: {  	_ =	shalt  }
0x51: {  	_ =	shalt  }
0x52: {  	_ =	shalt  }
0x53: {  	_ =	shalt  }
0x54: {  	_ =	shalt  }
0x55: {  	_ =	shalt  }
0x56: {  	_ =	shalt  }
0x57: {  	_ =	shalt  }
0x58: {  	_ =	shalt  }
0x59: {  	_ =	shalt  }
0x5a: {  	_ =	shalt  }
0x5b: {  	_ =	shalt  }
0x5c: {  	_ =	shalt  }
0x5d: {  	_ =	shalt  }
0x5e: {  	_ =	shalt  }
0x5f: {  	_ =	shalt  }
0x60: {  	_ =	shalt  }
0x61: {  	_ =	shalt  }
0x62: {  	_ =	shalt  }
0x63: {  	_ =	shalt  }
0x64: {  	_ =	shalt  }
0x65: {  	_ =	shalt  }
0x66: {  	_ =	shalt  }
0x67: {  	_ =	shalt  }
0x68: {  	_ =	shalt  }
0x69: {  	_ =	shalt  }
0x6a: {  	_ =	shalt  }
0x6b: {  	_ =	shalt  }
0x6c: {  	_ =	shalt  }
0x6d: {  	_ =	shalt  }
0x6e: {  	_ =	shalt  }
0x6f: {  	_ =	shalt  }
0x70: {  	_ =	shalt  }
0x71: {  	_ =	shalt  }
0x72: {  	_ =	shalt  }
0x73: {  	_ =	shalt  }
0x74: {  	_ =	shalt  }
0x75: {  	_ =	shalt  }
0x76: {  	_ =	shalt  }
0x77: {  	_ =	shalt  }
0x78: {  	_ =	shalt  }
0x79: {  	_ =	shalt  }
0x7a: {  	_ =	shalt  }
0x7b: {  	_ =	shalt  }
0x7c: {  	_ =	shalt  }
0x7d: {  	_ =	shalt  }
0x7e: {  	_ =	shalt  }
0x7f: {  	_ =	shalt  }
0x80: {  	_ =	shalt  }
0x81: {  	_ =	shalt  }
0x82: {  	_ =	shalt  }
0x83: {  	_ =	shalt  }
0x84: {  	_ =	shalt  }
0x85: {  	_ =	shalt  }
0x86: {  	_ =	shalt  }
0x87: {  	_ =	shalt  }
.Lfunc_end0:
.L_simem_size_0:
called_computation_lowered:
.L_overlay_start_0:
0x88: {  	s2 =	sld [smem:$0x3FD9]  }
0x89: {  	s3 =	sld [smem:$0x3FFE];
	_ =	sdelay $0x1  }
0x8a: {  	s1 =	srdreg.scid  }
0x8b: {  	s0 =	sand.u32 $0x1, s1  }
0x8c: {  	s18 =	sshll.u32 s0, $0xA;
	s2 =	sadd.s32 s3, s2  }
0x8d: {  	s2 =	sadd.s32 s2, s18  }
0x8e: {  	[smem:$0x3FC2] =	sst s2  }
0x8f: {  	_ = 	snop  }
0x90: {  	s2 =	sld [smem:$0x3FC9]  }
0x91: {  	s19 =	sld [smem:$0x3FC8]  }
0x92: {  	s4 =	sld [smem:$0x3FC7]  }
0x93: {  	s5 =	sld [smem:$0x3FC6]  }
0x94: {  	s6 =	sld [smem:$0x3FC5]  }
0x95: {  	s7 =	sld [smem:$0x3FC4]  }
0x96: {  	s8 =	sld [smem:$0x3FD0];
	(tm) =	ssettm $0x1  }
0x97: {  	s9 =	sld [smem:$0x3FFB];
	_ =	sdelay $0x3  }
0x98: {  	_ =	strace s9  }
0x99: {  	s9 =	sld [smem:$0x3FFC];
	_ =	sdelay $0x3  }
0x9a: {  	_ =	strace s9  }
0x9b: {  	s9 =	sld [smem:$0x3FFD];
	_ =	sdelay $0x3  }
0x9c: {  	_ =	strace s9  }
0x9d: {  	_ =	strace $0x8FFFFFFF  }
0x9e: {  	s20 =	sld [smem:$0x3FDB];
	_ =	sdelay $0x1  }
0x9f: {  	s10 =	simm.s32 $_scs_section_size  }
0xa0: {  	s11 =	simm.s32 $_size__tile_overlayer_lowered;
	s12 =	simm.s32 $_tile_overlayer_lowered  }
0xa1: {  	s23 =	simm.s32 $0x1BFF;
	s22 =	sshll.u32 s12, $0x1;
	s9 =	sadd.s32 s10, s20  }
0xa2: {  	s13 =	simm.s32 $0x0;
	s21 =	sshll.u32 s11, $0x1;
	s11 =	sadd.s32 s22, s9  }
0xa3: {  	[timem:s13], [sflag:s23] =	dma.local [hbm:s11], s21  }
0xa4: {  	_ =	swait.ge [sflag:s23], s21  }
0xa5: {  	s10 =	ssub.s32 $0x0, s21;
	[sflag:s23] =	ssyncset.done $0x0  }
0xa6: {  	[sflag:s23] =	ssyncadd.s32 s10;
	_ =	sdelay $0x1  }
0xa7: {  	s24 =	simm.s32 $0x1B8B  }
0xa8: {  	_ =	swait.ge [sflag:s24], $0x1  }
0xa9: {  	[sflag:s24] =	ssyncset.done $0x0  }
0xaa: {  	s25 =	simm.s32 $0x1B8E;
	[sflag:s24] =	ssyncadd.s32 $0xFFFFFFFF  }
0xab: {  	s26 =	simm.s32 $execute0_lowered;
	[smem:$0x3FD2] =	sst s25  }
0xac: {  	s10 =	sshll.u32 s26, $0x1;
	_ =	strace $0x80000046;
	[dreg:$0x1] =	wrdreg $0xFFFFFFFF  }
0xad: {  	s28 =	simm.s32 $_size_execute0_lowered;
	s9 =	sadd.s32 s9, s10;
	[dreg:$0x0] =	wrdreg $0x0  }
0xae: {  	s10 =	sshll.u32 s28, $0x1;
	[dreg:$0x2] =	wrdreg s9  }
0xaf: {  	[dreg:$0x3] =	wrdreg s10  }
0xb0: {  	[dreg:$0x4] =	wrdreg $0xC0  }
0xb1: {  	_ =	task [dreg:s13], $0x5FFFF  }
0xb2: {  	[dreg:$0x1] =	wrdreg $0xFFFFFFFF  }
0xb3: {  	[dreg:$0x0] =	wrdreg $0x60  }
0xb4: {  	[dreg:$0x2] =	wrdreg s2  }
0xb5: {  	[dreg:$0x3] =	wrdreg s19  }
0xb6: {  	[dreg:$0x4] =	wrdreg s4  }
0xb7: {  	[dreg:$0x5] =	wrdreg s5  }
0xb8: {  	[dreg:$0x6] =	wrdreg s6  }
0xb9: {  	[dreg:$0x7] =	wrdreg s7  }
0xba: {  	[dreg:$0x8] =	wrdreg s8  }
0xbb: {  	[dreg:$0x9] =	wrdreg $0x9  }
0xbc: {  	_ =	task.clear_ibuf [dreg:s13], $0xAFFFF;
	_ =	strace $0x90000046  }
0xbd: {  	s29 =	simm.s32 $0x9;
	_ =	strace $0x80000048  }
0xbe: {  	_ =	swait.ge [sflag:s29], $0x1  }
0xbf: {  	[sflag:s29] =	ssyncadd.s32 $0xFFFFFFFF  }
0xc0: {  	_ =	strace $0x90000048  }
0xc1: {  	_ =	sfence  }
0xc2: {  	s30 =	sld [smem:$0x0];
	_ =	sdelay $0x2  }
0xc3: {  	s31 =	sshll.u32 s1, $0xD;
	s1 =	sshrl.u32 s1, $0x2  }
0xc4: {  	s3 =	sand.u32 $0x4000, s31;
	s1 =	sadd.s32 s1, s30  }
0xc5: {  	s0 =	sor.u32 s3, s0;
	s1 =	sshll.u32 s1, $0x11  }
0xc6: {  	s0 =	sor.u32 s1, s0  }
0xc7: {  	s0 =	sadd.s32 $0x8F2B, s0  }
0xc8: {  	[sflag:s0] =	ssyncadd.remote.s32 $0x1  }
0xc9: {  	_ =	sfence.sel $0xFFFF  }
0xca: {  	[dreg:$0x0] =	wrdreg $0xFFFFFFFF;
	(pc) =	sbr.abs _section_cstart, $3  }
0xcb: {  	[dreg:$0x1] =	wrdreg $0xFFFFFFFF  }
0xcc: {  	_ =	task.clear_ibuf [dreg:s13], $0x2FFFF;
	_ =	strace $0x9FFFFFFF  }
0xcd: {  	(tm) =	ssettm $0x7FFFFFFF  }
tec
execute0_lowered:
.L_overlay_start_1:
0x0: {  	(tag) =	ssettag $0x1  }
0x1: {  	s5 =	rddreg [dreg:$0x0]  }
0x2: {  	s6 =	rddreg [dreg:$0x1]  }
0x3: {  	s0 =	rddreg [dreg:$0x2]  }
0x4: {  	s29 =	rddreg [dreg:$0x3]  }
0x5: {  	s1 =	rddreg [dreg:$0x4]  }
0x6: {  	s2 =	rddreg [dreg:$0x5]  }
0x7: {  	s7 =	rddreg [dreg:$0x6]  }
0x8: {  	[dreg:$0x8] =	wrdreg s0  }
0x9: {  	[dreg:$0x9] =	wrdreg s29  }
0xa: {  	s3 =	simm.s32 $0x0;
	s0 =	rddreg [dreg:$0x7]  }
0xb: {  	s4 =	simm.s32 $0xC00;
	[smem:$0x7FF] =	sst s3  }
0xc: {  	s30 =	simm.s32 $0x8C00;
	_ =	strace $0x80000047;
	[dreg:$0xa] =	wrdreg s4  }
0xd: {  	s31 =	simm.s32 $0x1400;
	[dreg:$0xb] =	wrdreg s30  }
0xe: {  	s8 =	simm.s32 $0x9400;
	[dreg:$0xc] =	wrdreg s31  }
0xf: {  	s9 =	simm.s32 $0x1C00;
	[dreg:$0xd] =	wrdreg s8  }
0x10: {  	s10 =	simm.s32 $0x9C00;
	[dreg:$0xe] =	wrdreg s9  }
0x11: {  	s11 =	simm.s32 $0x2400;
	[dreg:$0xf] =	wrdreg s10  }
0x12: {  	s12 =	simm.s32 $0xA400;
	[dreg:$0x10] =	wrdreg s11  }
0x13: {  	s13 =	simm.s32 $0x2C00;
	[dreg:$0x11] =	wrdreg s12  }
0x14: {  	s14 =	simm.s32 $0xAC00;
	[dreg:$0x12] =	wrdreg s13  }
0x15: {  	s15 =	simm.s32 $0x3400;
	[dreg:$0x13] =	wrdreg s14  }
0x16: {  	s16 =	simm.s32 $0xB400;
	[dreg:$0x14] =	wrdreg s15  }
0x17: {  	s17 =	simm.s32 $0xBC00;
	[dreg:$0x15] =	wrdreg s16  }
0x18: {  	s18 =	simm.s32 $0x4400;
	[dreg:$0x17] =	wrdreg s17  }
0x19: {  	s19 =	simm.s32 $0xC400;
	[dreg:$0x18] =	wrdreg s18  }
0x1a: {  	s20 =	simm.s32 $0x4C00;
	[dreg:$0x19] =	wrdreg s19  }
0x1b: {  	s21 =	simm.s32 $0xCC00;
	[dreg:$0x1a] =	wrdreg s20  }
0x1c: {  	s23 =	simm.s32 $0x5400;
	[dreg:$0x1b] =	wrdreg s21  }
0x1d: {  	s24 =	simm.s32 $0xD400;
	[dreg:$0x1c] =	wrdreg s23  }
0x1e: {  	s25 =	simm.s32 $0x5C00;
	[dreg:$0x1d] =	wrdreg s24  }
0x1f: {  	s26 =	simm.s32 $0xDC00;
	[dreg:$0x1e] =	wrdreg s25  }
0x20: {  	s28 =	simm.s32 $0x6400;
	s29 =	simm.s32 $0xE400;
	[dreg:$0x1f] =	wrdreg s26  }
0x21: {  	s8 =	srdreg.scid;
	s9 =	simm.s32 $0x3C00;
	[smem:$0x7F6] =	sst s28  }
0x22: {  	s4 =	stileid.u32;
	[smem:$0x7F7] =	sst s29;
	s30 =	simm.s32 $0x6C00  }
0x23: {  	v0 =	vimm.s32 $0x0;
	v1 =	vimm.s32 $0x1;
	v2 =	vimm.s32 $0x2;
	s31 =	simm.s32 $0xEC00;
	s12 =	simm.s32 $0x7400;
	s13 =	simm.s32 $0xF400  }
0x24: {  	v3 =	vimm.s32 $0x3;
	v4 =	vimm.s32 $0x4;
	v5 =	vimm.s32 $0x5;
	s14 =	simm.s32 $0x7C00;
	s16 =	simm.s32 $0xFC00;
	[dreg:$0x16] =	wrdreg s9  }
0x25: {  	v6 =	vimm.s32 $0x6;
	v7 =	vimm.s32 $0x7;
	v9 =	vimm.s32 $0x9;
	s15 =	simm.s32 $0x8400;
	s17 =	simm.s32 $0x10500;
	[smem:$0x7F8] =	sst s30  }
0x26: {  	v10 =	vimm.s32 $0xA;
	v13 =	vlaneseq.u32;
	v11 =	vimm.s32 $0xB;
	s18 =	simm.s32 $0x0;
	s8 =	sand.u32 $0x1, s8;
	[smem:$0x7F9] =	sst s31  }
0x27: {  	v12 =	vimm.s32 $0xC;
	v14 =	vimm.s32 $0xD;
	v13 =	vmul.u32 $0x800, v13;
	s22 =	sshll.u32 s4, $0x7;
	s9 =	simm.s32 $0x2;
	[smem:$0x7FA] =	sst s12  }
0x28: {  	v8 =	vimm.s32 $0x8;
	v15 =	vimm.s32 $0xE;
	v16 =	vimm.s32 $0xF;
	s12 =	simm.s32 $0x10480;
	[smem:$0x7FB] =	sst s13;
	s13 =	simm.s32 $0x7A1400  }
0x29: {  	v17 =	vor.u32 $0x80, v13;
	v18 =	vor.u32 $0x100, v13;
	v19 =	vor.u32 $0x180, v13;
	[smem:$0x7FC] =	sst s14;
	s14 =	simm.s32 $0x400;
	s10 =	ssub.s32 $0x2, s8  }
0x2a: {  	v20 =	vor.u32 $0x200, v13;
	v21 =	vor.u32 $0x280, v13;
	v22 =	vor.u32 $0x300, v13;
	[smem:$0x7FD] =	sst s16;
	s8 =	sshll.u32 s8, $0x6;
	s11 =	sshrl.u32 s10, $0x1  }
0x2b: {  	v23 =	vor.u32 $0x380, v13;
	v24 =	vor.u32 $0x400, v13;
	v25 =	vor.u32 $0x480, v13;
	s16 =	simm.s32 $0x1;
	s8 =	sor.u32 s8, s22;
	s10 =	ssub.s32 s10, s11  }
0x2c: {  	v26 =	vor.u32 $0x500, v13;
	v27 =	vor.u32 $0x580, v13;
	v28 =	vor.u32 $0x600, v13;
	s5 =	sadd.s32 s5, s8;
	s6 =	sadd.s32 s6, s8;
	s7 =	sadd.s32 s7, s8  }
0x2d: {  	v29 =	vor.u32 $0x680, v13;
	v30 =	vor.u32 $0x700, v13;
	v31 =	vor.u32 $0x780, v13;
	s11 =	simm.s32 $0x10400;
	s8 =	smax.u32 s10, $0x1;
	s10 =	simm.s32 $0x200  }
.LBB2_1:
0x2e: {  	[tilespmem:s3], [sflag:$0x2] =	stream.linear.gather [hbm4b:s5+s3], $0x200, $0x38;
	[tilespmem:$0x10700] =	vst v63  }
0x2f: {  	_ =	swait.ge [sflag:s9], $0x200  }
0x30: {  	[sflag:s9] =	ssyncset.done $0x0  }
0x31: {  	[sflag:s9] =	ssyncadd.s32 $0xFFFFFE00  }
0x32: {  	[tilespmem:s10], [sflag:$0x2] =	stream.linear.gather [hbm4b:s6+s3], $0x200, $0x38;
	[tilespmem:$0x10700] =	vst v63  }
0x33: {  	_ =	swait.ge [sflag:s9], $0x200  }
0x34: {  	[sflag:s9] =	ssyncset.done $0x0  }
0x35: {  	[sflag:s9] =	ssyncadd.s32 $0xFFFFFE00  }
0x36: {  	[tilespmem:s11], [sflag:$0x2] =	stream.linear.gather [hbm4b:s1+s3], $0x80, $0x38;
	[tilespmem:$0x10700] =	vst v63  }
0x37: {  	_ =	swait.ge [sflag:s9], $0x80  }
0x38: {  	[sflag:s9] =	ssyncset.done $0x0  }
0x39: {  	[sflag:s9] =	ssyncadd.s32 $0xFFFFFF80  }
0x3a: {  	[tilespmem:s12], [sflag:$0x2] =	stream.linear.gather [hbm4b:s2+s3], $0x80, $0x38;
	[tilespmem:$0x10700] =	vst v63  }
0x3b: {  	_ =	swait.ge [sflag:s9], $0x80  }
0x3c: {  	[sflag:s9] =	ssyncset.done $0x0  }
0x3d: {  	[sflag:s9] =	ssyncadd.s32 $0xFFFFFF80  }
0x3e: {  	v48 =	vld [tilespmem:$0x10400];
	_ =	sdelay $0x4  }
0x3f: {  	v32 =	vperm.xlane v48, v0;
	v33 =	vperm.xlane v48, v1  }
0x40: {  	v34 =	vperm.xlane v48, v2;
	v35 =	vperm.xlane v48, v3  }
0x41: {  	v36 =	vperm.xlane v48, v4;
	v37 =	vperm.xlane v48, v5  }
0x42: {  	v38 =	vperm.xlane v48, v6;
	v39 =	vperm.xlane v48, v7  }
0x43: {  	v40 =	vperm.xlane v48, v8;
	v41 =	vperm.xlane v48, v9  }
0x44: {  	v42 =	vperm.xlane v48, v10;
	v43 =	vperm.xlane v48, v11  }
0x45: {  	v44 =	vperm.xlane v48, v12;
	v45 =	vperm.xlane v48, v14  }
0x46: {  	s19 =	simm.s32 $0x0;
	v46 =	vld [tilespmem:$0x10480];
	v47 =	vperm.xlane v48, v15;
	v48 =	vperm.xlane v48, v16  }
.LBB2_2:
0x47: {  	s20 =	sshra.s32 s19, $0x2  }
0x48: {  	v49 =	vld [tilespmem:s20+$0x0];
	_ =	sdelay $0x1  }
0x49: {  	v50 =	vld [tilespmem:s20+$0x200];
	_ =	sdelay $0x2  }
0x4a: {  	s21 =	rddreg [dreg:$0x8];
	v49 =	vand.u32 $0xFFFFFF80, v49  }
0x4b: {  	v49 =	vadd.s32 s21, v49  }
0x4c: {  	s22 =	rddreg [dreg:$0x9];
	v50 =	vand.u32 $0xFFFFFF80, v50;
	(v2sf) =	vpush v49, $0x0  }
0x4d: {  	v50 =	vadd.s32 s22, v50  }
0x4e: {  	(v2sf) =	vpush v50, $0x0;
	_ =	sdelay $0x1  }
0x4f: {  	(v2sf) =	vpush v49, $0x1;
	_ =	sdelay $0x1  }
0x50: {  	(v2sf) =	vpush v50, $0x1;
	_ =	sdelay $0x1  }
0x51: {  	(v2sf) =	vpush v49, $0x2;
	_ =	sdelay $0x1  }
0x52: {  	(v2sf) =	vpush v50, $0x2;
	_ =	sdelay $0x1  }
0x53: {  	(v2sf) =	vpush v49, $0x3;
	_ =	sdelay $0x1  }
0x54: {  	(v2sf) =	vpush v50, $0x3  }
0x55: {  	s25 =	spop (v2sf)  }
0x56: {  	(v2sf) =	vpush v49, $0x4;
	[tilespmem:s14], [sflag:$0x1] =	stream.strided.gather [hbm4b:s25+s14], $0x800, s13, s14, $0x38;
	[tilespmem:$0x10700] =	vst v63  }
0x57: {  	s28 =	rddreg [dreg:$0xa];
	s26 =	spop (v2sf)  }
0x58: {  	(v2sf) =	vpush v50, $0x4;
	[tilespmem:s15], [sflag:$0x1] =	stream.strided.gather [hbm4b:s26+s14], $0x800, s13, s14, $0x38;
	[tilespmem:$0x10700] =	vst v63  }
0x59: {  	s23 =	rddreg [dreg:$0xb];
	s29 =	spop (v2sf)  }
0x5a: {  	(v2sf) =	vpush v49, $0x5;
	[tilespmem:s28], [sflag:$0x1] =	stream.strided.gather [hbm4b:s29+s14], $0x800, s13, s14, $0x38;
	[tilespmem:$0x10700] =	vst v63  }
0x5b: {  	s31 =	rddreg [dreg:$0xc];
	s30 =	spop (v2sf)  }
0x5c: {  	(v2sf) =	vpush v50, $0x5;
	[tilespmem:s23], [sflag:$0x1] =	stream.strided.gather [hbm4b:s30+s14], $0x800, s13, s14, $0x38;
	[tilespmem:$0x10700] =	vst v63  }
0x5d: {  	s24 =	rddreg [dreg:$0xd];
	s23 =	spop (v2sf)  }
0x5e: {  	(v2sf) =	vpush v49, $0x6;
	[tilespmem:s31], [sflag:$0x1] =	stream.strided.gather [hbm4b:s23+s14], $0x800, s13, s14, $0x38;
	[tilespmem:$0x10700] =	vst v63  }
0x5f: {  	s26 =	rddreg [dreg:$0xe];
	s25 =	spop (v2sf)  }
0x60: {  	(v2sf) =	vpush v50, $0x6;
	[tilespmem:s24], [sflag:$0x1] =	stream.strided.gather [hbm4b:s25+s14], $0x800, s13, s14, $0x38;
	[tilespmem:$0x10700] =	vst v63  }
0x61: {  	s29 =	rddreg [dreg:$0xf];
	s28 =	spop (v2sf)  }
0x62: {  	(v2sf) =	vpush v49, $0x7;
	[tilespmem:s26], [sflag:$0x1] =	stream.strided.gather [hbm4b:s28+s14], $0x800, s13, s14, $0x38;
	[tilespmem:$0x10700] =	vst v63  }
0x63: {  	s31 =	rddreg [dreg:$0x10];
	s30 =	spop (v2sf)  }
0x64: {  	(v2sf) =	vpush v50, $0x7;
	[tilespmem:s29], [sflag:$0x1] =	stream.strided.gather [hbm4b:s30+s14], $0x800, s13, s14, $0x38;
	[tilespmem:$0x10700] =	vst v63  }
0x65: {  	s24 =	rddreg [dreg:$0x11];
	s23 =	spop (v2sf)  }
0x66: {  	(v2sf) =	vpush v49, $0x8;
	[tilespmem:s31], [sflag:$0x1] =	stream.strided.gather [hbm4b:s23+s14], $0x800, s13, s14, $0x38;
	[tilespmem:$0x10700] =	vst v63  }
0x67: {  	s26 =	rddreg [dreg:$0x12];
	s25 =	spop (v2sf)  }
0x68: {  	(v2sf) =	vpush v50, $0x8;
	[tilespmem:s24], [sflag:$0x1] =	stream.strided.gather [hbm4b:s25+s14], $0x800, s13, s14, $0x38;
	[tilespmem:$0x10700] =	vst v63  }
0x69: {  	s29 =	rddreg [dreg:$0x13];
	s28 =	spop (v2sf)  }
0x6a: {  	(v2sf) =	vpush v49, $0x9;
	[tilespmem:s26], [sflag:$0x1] =	stream.strided.gather [hbm4b:s28+s14], $0x800, s13, s14, $0x38;
	[tilespmem:$0x10700] =	vst v63  }
0x6b: {  	s31 =	rddreg [dreg:$0x14];
	s30 =	spop (v2sf)  }
0x6c: {  	(v2sf) =	vpush v50, $0x9;
	[tilespmem:s29], [sflag:$0x1] =	stream.strided.gather [hbm4b:s30+s14], $0x800, s13, s14, $0x38;
	[tilespmem:$0x10700] =	vst v63  }
0x6d: {  	s24 =	rddreg [dreg:$0x15];
	s23 =	spop (v2sf)  }
0x6e: {  	(v2sf) =	vpush v49, $0xA;
	[tilespmem:s31], [sflag:$0x1] =	stream.strided.gather [hbm4b:s23+s14], $0x800, s13, s14, $0x38;
	[tilespmem:$0x10700] =	vst v63  }
0x6f: {  	s26 =	rddreg [dreg:$0x16];
	s25 =	spop (v2sf)  }
0x70: {  	(v2sf) =	vpush v50, $0xA;
	[tilespmem:s24], [sflag:$0x1] =	stream.strided.gather [hbm4b:s25+s14], $0x800, s13, s14, $0x38;
	[tilespmem:$0x10700] =	vst v63  }
0x71: {  	s29 =	rddreg [dreg:$0x17];
	s28 =	spop (v2sf)  }
0x72: {  	(v2sf) =	vpush v49, $0xB;
	[tilespmem:s26], [sflag:$0x1] =	stream.strided.gather [hbm4b:s28+s14], $0x800, s13, s14, $0x38;
	[tilespmem:$0x10700] =	vst v63  }
0x73: {  	s30 =	spop (v2sf);
	s31 =	rddreg [dreg:$0x18]  }
0x74: {  	(v2sf) =	vpush v50, $0xB;
	[tilespmem:s29], [sflag:$0x1] =	stream.strided.gather [hbm4b:s30+s14], $0x800, s13, s14, $0x38;
	[tilespmem:$0x10700] =	vst v63  }
0x75: {  	s24 =	rddreg [dreg:$0x19];
	s23 =	spop (v2sf)  }
0x76: {  	(v2sf) =	vpush v49, $0xC;
	[tilespmem:s31], [sflag:$0x1] =	stream.strided.gather [hbm4b:s23+s14], $0x800, s13, s14, $0x38;
	[tilespmem:$0x10700] =	vst v63  }
0x77: {  	s26 =	rddreg [dreg:$0x1a];
	s25 =	spop (v2sf)  }
0x78: {  	(v2sf) =	vpush v50, $0xC;
	[tilespmem:s24], [sflag:$0x1] =	stream.strided.gather [hbm4b:s25+s14], $0x800, s13, s14, $0x38;
	[tilespmem:$0x10700] =	vst v63  }
0x79: {  	s29 =	rddreg [dreg:$0x1b];
	s28 =	spop (v2sf)  }
0x7a: {  	(v2sf) =	vpush v49, $0xD;
	[tilespmem:s26], [sflag:$0x1] =	stream.strided.gather [hbm4b:s28+s14], $0x800, s13, s14, $0x38;
	[tilespmem:$0x10700] =	vst v63  }
0x7b: {  	s30 =	spop (v2sf);
	s31 =	rddreg [dreg:$0x1c]  }
0x7c: {  	(v2sf) =	vpush v50, $0xD;
	[tilespmem:s29], [sflag:$0x1] =	stream.strided.gather [hbm4b:s30+s14], $0x800, s13, s14, $0x38;
	[tilespmem:$0x10700] =	vst v63  }
0x7d: {  	s24 =	rddreg [dreg:$0x1d];
	s23 =	spop (v2sf)  }
0x7e: {  	(v2sf) =	vpush v49, $0xE;
	[tilespmem:s31], [sflag:$0x1] =	stream.strided.gather [hbm4b:s23+s14], $0x800, s13, s14, $0x38;
	[tilespmem:$0x10700] =	vst v63  }
0x7f: {  	s26 =	rddreg [dreg:$0x1e];
	s25 =	spop (v2sf)  }
0x80: {  	(v2sf) =	vpush v50, $0xE;
	[tilespmem:s24], [sflag:$0x1] =	stream.strided.gather [hbm4b:s25+s14], $0x800, s13, s14, $0x38;
	[tilespmem:$0x10700] =	vst v63  }
0x81: {  	s28 =	spop (v2sf);
	s29 =	rddreg [dreg:$0x1f]  }
0x82: {  	(v2sf) =	vpush v49, $0xF;
	[tilespmem:s26], [sflag:$0x1] =	stream.strided.gather [hbm4b:s28+s14], $0x800, s13, s14, $0x38;
	[tilespmem:$0x10700] =	vst v63  }
0x83: {  	s30 =	spop (v2sf);
	s31 =	sld [smem:$0x7F6]  }
0x84: {  	(v2sf) =	vpush v50, $0xF;
	[tilespmem:s29], [sflag:$0x1] =	stream.strided.gather [hbm4b:s30+s14], $0x800, s13, s14, $0x38;
	[tilespmem:$0x10700] =	vst v63  }
0x85: {  	s24 =	sld [smem:$0x7F7];
	s23 =	spop (v2sf)  }
0x86: {  	[tilespmem:s31], [sflag:$0x1] =	stream.strided.gather [hbm4b:s23+s14], $0x800, s13, s14, $0x38;
	[tilespmem:$0x10700] =	vst v63  }
0x87: {  	s26 =	sld [smem:$0x7F8];
	s25 =	spop (v2sf)  }
0x88: {  	[tilespmem:s24], [sflag:$0x1] =	stream.strided.gather [hbm4b:s25+s14], $0x800, s13, s14, $0x38;
	[tilespmem:$0x10700] =	vst v63  }
0x89: {  	s28 =	spop (v2sf);
	s29 =	sld [smem:$0x7F9]  }
0x8a: {  	[tilespmem:s26], [sflag:$0x1] =	stream.strided.gather [hbm4b:s28+s14], $0x800, s13, s14, $0x38;
	[tilespmem:$0x10700] =	vst v63  }
0x8b: {  	s30 =	spop (v2sf);
	s31 =	sld [smem:$0x7FA]  }
0x8c: {  	[tilespmem:s29], [sflag:$0x1] =	stream.strided.gather [hbm4b:s30+s14], $0x800, s13, s14, $0x38;
	[tilespmem:$0x10700] =	vst v63  }
0x8d: {  	s25 =	sld [smem:$0x7FB];
	s24 =	spop (v2sf)  }
0x8e: {  	[tilespmem:s31], [sflag:$0x1] =	stream.strided.gather [hbm4b:s24+s14], $0x800, s13, s14, $0x38;
	[tilespmem:$0x10700] =	vst v63  }
0x8f: {  	s26 =	spop (v2sf);
	s28 =	sld [smem:$0x7FC]  }
0x90: {  	[tilespmem:s25], [sflag:$0x1] =	stream.strided.gather [hbm4b:s26+s14], $0x800, s13, s14, $0x38;
	[tilespmem:$0x10700] =	vst v63  }
0x91: {  	s29 =	spop (v2sf);
	s30 =	sld [smem:$0x7FD]  }
0x92: {  	[tilespmem:s28], [sflag:$0x1] =	stream.strided.gather [hbm4b:s29+s14], $0x800, s13, s14, $0x38;
	[tilespmem:$0x10700] =	vst v63  }
0x93: {  	s31 =	spop (v2sf)  }
0x94: {  	[tilespmem:s30], [sflag:$0x1] =	stream.strided.gather [hbm4b:s31+s14], $0x800, s13, s14, $0x38;
	[tilespmem:$0x10700] =	vst v63  }
0x95: {  	_ =	swait.ge [sflag:s16], $0x800  }
0x96: {  	[sflag:s16] =	ssyncset.done $0x0  }
0x97: {  	[sflag:s16] =	ssyncadd.s32 $0xFFFFF800  }
0x98: {  	_ =	swait.ge [sflag:s16], $0x800  }
0x99: {  	[sflag:s16] =	ssyncset.done $0x0  }
0x9a: {  	[sflag:s16] =	ssyncadd.s32 $0xFFFFF800  }
0x9b: {  	_ =	swait.ge [sflag:s16], $0x800  }
0x9c: {  	[sflag:s16] =	ssyncset.done $0x0  }
0x9d: {  	[sflag:s16] =	ssyncadd.s32 $0xFFFFF800  }
0x9e: {  	_ =	swait.ge [sflag:s16], $0x800  }
0x9f: {  	[sflag:s16] =	ssyncset.done $0x0  }
0xa0: {  	[sflag:s16] =	ssyncadd.s32 $0xFFFFF800  }
0xa1: {  	_ =	swait.ge [sflag:s16], $0x800  }
0xa2: {  	[sflag:s16] =	ssyncset.done $0x0  }
0xa3: {  	[sflag:s16] =	ssyncadd.s32 $0xFFFFF800  }
0xa4: {  	_ =	swait.ge [sflag:s16], $0x800  }
0xa5: {  	[sflag:s16] =	ssyncset.done $0x0  }
0xa6: {  	[sflag:s16] =	ssyncadd.s32 $0xFFFFF800  }
0xa7: {  	_ =	swait.ge [sflag:s16], $0x800  }
0xa8: {  	[sflag:s16] =	ssyncset.done $0x0  }
0xa9: {  	[sflag:s16] =	ssyncadd.s32 $0xFFFFF800  }
0xaa: {  	_ =	swait.ge [sflag:s16], $0x800  }
0xab: {  	[sflag:s16] =	ssyncset.done $0x0  }
0xac: {  	[sflag:s16] =	ssyncadd.s32 $0xFFFFF800  }
0xad: {  	_ =	swait.ge [sflag:s16], $0x800  }
0xae: {  	[sflag:s16] =	ssyncset.done $0x0  }
0xaf: {  	[sflag:s16] =	ssyncadd.s32 $0xFFFFF800  }
0xb0: {  	_ =	swait.ge [sflag:s16], $0x800  }
0xb1: {  	[sflag:s16] =	ssyncset.done $0x0  }
0xb2: {  	[sflag:s16] =	ssyncadd.s32 $0xFFFFF800  }
0xb3: {  	_ =	swait.ge [sflag:s16], $0x800  }
0xb4: {  	[sflag:s16] =	ssyncset.done $0x0  }
0xb5: {  	[sflag:s16] =	ssyncadd.s32 $0xFFFFF800  }
0xb6: {  	_ =	swait.ge [sflag:s16], $0x800  }
0xb7: {  	[sflag:s16] =	ssyncset.done $0x0  }
0xb8: {  	[sflag:s16] =	ssyncadd.s32 $0xFFFFF800  }
0xb9: {  	_ =	swait.ge [sflag:s16], $0x800  }
0xba: {  	[sflag:s16] =	ssyncset.done $0x0  }
0xbb: {  	[sflag:s16] =	ssyncadd.s32 $0xFFFFF800  }
0xbc: {  	_ =	swait.ge [sflag:s16], $0x800  }
0xbd: {  	[sflag:s16] =	ssyncset.done $0x0  }
0xbe: {  	[sflag:s16] =	ssyncadd.s32 $0xFFFFF800  }
0xbf: {  	_ =	swait.ge [sflag:s16], $0x800  }
0xc0: {  	[sflag:s16] =	ssyncset.done $0x0  }
0xc1: {  	[sflag:s16] =	ssyncadd.s32 $0xFFFFF800  }
0xc2: {  	_ =	swait.ge [sflag:s16], $0x800  }
0xc3: {  	[sflag:s16] =	ssyncset.done $0x0  }
0xc4: {  	[sflag:s16] =	ssyncadd.s32 $0xFFFFF800  }
0xc5: {  	_ =	swait.ge [sflag:s16], $0x800  }
0xc6: {  	[sflag:s16] =	ssyncset.done $0x0  }
0xc7: {  	[sflag:s16] =	ssyncadd.s32 $0xFFFFF800  }
0xc8: {  	_ =	swait.ge [sflag:s16], $0x800  }
0xc9: {  	[sflag:s16] =	ssyncset.done $0x0  }
0xca: {  	[sflag:s16] =	ssyncadd.s32 $0xFFFFF800  }
0xcb: {  	_ =	swait.ge [sflag:s16], $0x800  }
0xcc: {  	[sflag:s16] =	ssyncset.done $0x0  }
0xcd: {  	[sflag:s16] =	ssyncadd.s32 $0xFFFFF800  }
0xce: {  	_ =	swait.ge [sflag:s16], $0x800  }
0xcf: {  	[sflag:s16] =	ssyncset.done $0x0  }
0xd0: {  	[sflag:s16] =	ssyncadd.s32 $0xFFFFF800  }
0xd1: {  	_ =	swait.ge [sflag:s16], $0x800  }
0xd2: {  	[sflag:s16] =	ssyncset.done $0x0  }
0xd3: {  	[sflag:s16] =	ssyncadd.s32 $0xFFFFF800  }
0xd4: {  	_ =	swait.ge [sflag:s16], $0x800  }
0xd5: {  	[sflag:s16] =	ssyncset.done $0x0  }
0xd6: {  	[sflag:s16] =	ssyncadd.s32 $0xFFFFF800  }
0xd7: {  	_ =	swait.ge [sflag:s16], $0x800  }
0xd8: {  	[sflag:s16] =	ssyncset.done $0x0  }
0xd9: {  	[sflag:s16] =	ssyncadd.s32 $0xFFFFF800  }
0xda: {  	_ =	swait.ge [sflag:s16], $0x800  }
0xdb: {  	[sflag:s16] =	ssyncset.done $0x0  }
0xdc: {  	[sflag:s16] =	ssyncadd.s32 $0xFFFFF800  }
0xdd: {  	_ =	swait.ge [sflag:s16], $0x800  }
0xde: {  	[sflag:s16] =	ssyncset.done $0x0  }
0xdf: {  	[sflag:s16] =	ssyncadd.s32 $0xFFFFF800  }
0xe0: {  	_ =	swait.ge [sflag:s16], $0x800  }
0xe1: {  	[sflag:s16] =	ssyncset.done $0x0  }
0xe2: {  	[sflag:s16] =	ssyncadd.s32 $0xFFFFF800  }
0xe3: {  	_ =	swait.ge [sflag:s16], $0x800  }
0xe4: {  	[sflag:s16] =	ssyncset.done $0x0  }
0xe5: {  	[sflag:s16] =	ssyncadd.s32 $0xFFFFF800  }
0xe6: {  	_ =	swait.ge [sflag:s16], $0x800  }
0xe7: {  	[sflag:s16] =	ssyncset.done $0x0  }
0xe8: {  	[sflag:s16] =	ssyncadd.s32 $0xFFFFF800  }
0xe9: {  	_ =	swait.ge [sflag:s16], $0x800  }
0xea: {  	[sflag:s16] =	ssyncset.done $0x0  }
0xeb: {  	[sflag:s16] =	ssyncadd.s32 $0xFFFFF800  }
0xec: {  	_ =	swait.ge [sflag:s16], $0x800  }
0xed: {  	[sflag:s16] =	ssyncset.done $0x0  }
0xee: {  	[sflag:s16] =	ssyncadd.s32 $0xFFFFF800  }
0xef: {  	_ =	swait.ge [sflag:s16], $0x800  }
0xf0: {  	[sflag:s16] =	ssyncset.done $0x0  }
0xf1: {  	[sflag:s16] =	ssyncadd.s32 $0xFFFFF800  }
0xf2: {  	_ =	swait.ge [sflag:s16], $0x800  }
0xf3: {  	[sflag:s16] =	ssyncset.done $0x0  }
0xf4: {  	[sflag:s16] =	ssyncadd.s32 $0xFFFFF800  }
0xf5: {  	v59 =	vld [tilespmem:s20+$0x0]  }
0xf6: {  	v60 =	vld [tilespmem:s20+$0x200];
	_ =	sdelay $0x3  }
0xf7: {  	v49 =	vand.u32 $0x7F, v59  }
0xf8: {  	v50 =	vand.u32 $0x7F, v60;
	v51 =	vor.u32 v13, v49  }
0xf9: {  	v52 =	vor.u32 v13, v50  }
0xfa: {  	v53 =	vor.u32 v17, v49  }
0xfb: {  	v54 =	vor.u32 v17, v50;
	_ =	sdelay $0x1  }
0xfc: {  	v55 =	vor.u32 v18, v49;
	v51 =	vld.idx.msk [tilespmem:v51+s14+$0x0], $0xffff  }
0xfd: {  	v56 =	vor.u32 v18, v50;
	v52 =	vld.idx.msk [tilespmem:v52+s15+$0x0], $0xffff  }
0xfe: {  	v53 =	vld.idx.msk [tilespmem:v53+s14+$0x0], $0xffff  }
0xff: {  	v57 =	vor.u32 v19, v49;
	v54 =	vld.idx.msk [tilespmem:v54+s15+$0x0], $0xffff  }
0x100: {  	v58 =	vor.u32 v19, v50  }
0x101: {  	v59 =	vor.u32 v20, v49;
	v55 =	vld.idx.msk [tilespmem:v55+s14+$0x0], $0xffff  }
0x102: {  	v51 =	vmul.f32 v52, v51;
	v52 =	vld.idx.msk [tilespmem:v56+s15+$0x0], $0xffff;
	v56 =	vor.u32 v20, v50;
	_ =	sdelay $0x1  }
0x103: {  	v60 =	vor.u32 v21, v49;
	v57 =	vld.idx.msk [tilespmem:v57+s14+$0x0], $0xffff;
	v53 =	vmul.f32 v54, v53  }
0x104: {  	v54 =	vld.idx.msk [tilespmem:v58+s15+$0x0], $0xffff;
	v58 =	vor.u32 v21, v50;
	v51 =	vmul.f32 v51, v32  }
0x105: {  	v61 =	vor.u32 v22, v49;
	v59 =	vld.idx.msk [tilespmem:v59+s14+$0x0], $0xffff;
	v53 =	vmul.f32 v53, v33  }
0x106: {  	v51 =	vadd.f32 v51, v46;
	v52 =	vmul.f32 v52, v55;
	v55 =	vld.idx.msk [tilespmem:v56+s15+$0x0], $0xffff;
	v56 =	vor.u32 v22, v50;
	_ =	sdelay $0x1  }
0x107: {  	v51 =	vadd.f32 v53, v51;
	v53 =	vld.idx.msk [tilespmem:v60+s14+$0x0], $0xffff;
	v60 =	vor.u32 v23, v49;
	v52 =	vmul.f32 v52, v34  }
0x108: {  	v54 =	vmul.f32 v54, v57;
	v57 =	vld.idx.msk [tilespmem:v58+s15+$0x0], $0xffff;
	v58 =	vor.u32 v23, v50  }
0x109: {  	v51 =	vadd.f32 v52, v51;
	v52 =	vld.idx.msk [tilespmem:v61+s14+$0x0], $0xffff;
	v61 =	vor.u32 v24, v49  }
0x10a: {  	v54 =	vmul.f32 v54, v35;
	v55 =	vmul.f32 v55, v59;
	v56 =	vld.idx.msk [tilespmem:v56+s15+$0x0], $0xffff;
	v59 =	vor.u32 v24, v50;
	_ =	sdelay $0x1  }
0x10b: {  	v51 =	vadd.f32 v54, v51;
	v54 =	vmul.f32 v55, v36;
	v55 =	vld.idx.msk [tilespmem:v60+s14+$0x0], $0xffff;
	v60 =	vor.u32 v25, v49  }
0x10c: {  	v53 =	vmul.f32 v57, v53;
	v57 =	vld.idx.msk [tilespmem:v58+s15+$0x0], $0xffff;
	v58 =	vor.u32 v25, v50  }
0x10d: {  	v51 =	vadd.f32 v54, v51;
	v54 =	vld.idx.msk [tilespmem:v61+s14+$0x0], $0xffff;
	v61 =	vor.u32 v26, v49  }
0x10e: {  	v53 =	vmul.f32 v53, v37;
	v52 =	vmul.f32 v56, v52;
	v56 =	vld.idx.msk [tilespmem:v59+s15+$0x0], $0xffff;
	v59 =	vor.u32 v26, v50  }
0x10f: {  	v62 =	vor.u32 v27, v49  }
0x110: {  	v51 =	vadd.f32 v53, v51;
	v52 =	vmul.f32 v52, v38;
	v53 =	vld.idx.msk [tilespmem:v60+s14+$0x0], $0xffff;
	v60 =	vor.u32 v27, v50  }
0x111: {  	v55 =	vmul.f32 v57, v55;
	v57 =	vld.idx.msk [tilespmem:v58+s15+$0x0], $0xffff;
	v58 =	vor.u32 v28, v49  }
0x112: {  	v51 =	vadd.f32 v52, v51;
	v52 =	vld.idx.msk [tilespmem:v61+s14+$0x0], $0xffff;
	v61 =	vor.u32 v28, v50  }
0x113: {  	v63 =	vor.u32 v29, v50;
	v55 =	vmul.f32 v55, v39;
	v54 =	vmul.f32 v56, v54;
	v56 =	vld.idx.msk [tilespmem:v59+s15+$0x0], $0xffff  }
0x114: {  	v62 =	vld.idx.msk [tilespmem:v62+s14+$0x0], $0xffff;
	v59 =	vor.u32 v29, v49  }
0x115: {  	v51 =	vadd.f32 v55, v51;
	v54 =	vmul.f32 v54, v40;
	v55 =	vld.idx.msk [tilespmem:v60+s15+$0x0], $0xffff;
	v60 =	vor.u32 v30, v49  }
0x116: {  	v53 =	vmul.f32 v57, v53;
	v57 =	vld.idx.msk [tilespmem:v58+s14+$0x0], $0xffff;
	v58 =	vor.u32 v30, v50  }
0x117: {  	v49 =	vor.u32 v31, v49;
	v51 =	vadd.f32 v54, v51;
	v54 =	vld.idx.msk [tilespmem:v61+s15+$0x0], $0xffff  }
0x118: {  	v50 =	vor.u32 v31, v50;
	v53 =	vmul.f32 v53, v41;
	v61 =	vld.idx.msk [tilespmem:v63+s15+$0x0], $0xffff;
	v52 =	vmul.f32 v56, v52  }
0x119: {  	v56 =	vld.idx.msk [tilespmem:v59+s14+$0x0], $0xffff  }
0x11a: {  	v51 =	vadd.f32 v53, v51;
	v62 =	vmul.f32 v55, v62;
	v52 =	vmul.f32 v52, v42;
	v63 =	vld.idx.msk [tilespmem:v60+s14+$0x0], $0xffff  }
0x11b: {  	v58 =	vld.idx.msk [tilespmem:v58+s15+$0x0], $0xffff  }
0x11c: {  	v49 =	vld.idx.msk [tilespmem:v49+s14+$0x0], $0xffff;
	v51 =	vadd.f32 v52, v51;
	v60 =	vmul.f32 v54, v57;
	v53 =	vmul.f32 v62, v43  }
0x11d: {  	v50 =	vld.idx.msk [tilespmem:v50+s15+$0x0], $0xffff  }
0x11e: {  	v61 =	vmul.f32 v61, v56;
	v51 =	vadd.f32 v53, v51;
	v52 =	vmul.f32 v60, v44;
	_ =	sdelay $0x1  }
0x11f: {  	v62 =	vmul.f32 v58, v63;
	v53 =	vmul.f32 v61, v45;
	v51 =	vadd.f32 v52, v51;
	_ =	sdelay $0x1  }
0x120: {  	v49 =	vmul.f32 v50, v49;
	v52 =	vmul.f32 v62, v47;
	v51 =	vadd.f32 v53, v51  }
0x121: {  	p0 =	sne.s32 s19, $0x7C0  }
.Ltmp0:
0x122: {  	v49 =	vmul.f32 v49, v48;
	v63 =	vadd.f32 v52, v51;
	(pc) =	sbr.rel @p0 .LBB2_2-.Ltmp0, $3  }
0x123: {  	_ = 	snop  }
0x124: {  	v49 =	vadd.f32 v49, v63;
	_ =	sdelay $0x1  }
0x125: {  	s19 =	sadd.s32 $0x40, s19;
	[tilespmem:s20+$0x10500] =	vst v49  }
0x126: {  	s18 =	sadd.s32 $0x1, s18  }
0x127: {  	p0 =	sne.s32 s18, s8  }
.Ltmp1:
0x128: {  	_ = 	snop;
	(pc) =	sbr.rel @p0 .LBB2_1-.Ltmp1, $4  }
0x129: {  	[hbm4b:s7+s3] =	stream.linear.scatter [tilespmem:s17], [sflag:$0x2], $0x200, $0x38;
	[tilespmem:$0x10700] =	vst v63  }
0x12a: {  	_ =	swait.ge [sflag:s9], $0x200  }
0x12b: {  	[sflag:s9] =	ssyncset.done $0x0  }
0x12c: {  	[sflag:s9] =	ssyncadd.s32 $0xFFFFFE00  }
0x12d: {  	_ =	sfence.sel $0x180000  }
0x12e: {  	[bflag:$0x0] =	sbarrier.arrive $0xFFFF  }
0x12f: {  	p0 =	sne.s32 s4, $0x0;
	_ =	strace $0x90000047  }
0x130: {  	s0 =	sadd.s32 @!p0 $0x100000, s0;
	[bflag:$0x2] =	sbarrier.arrive $0xFFFF  }
0x131: {  	[sflag:s0] =	ssyncadd.tile.s32 @!p0 $0x1;
	_ =	shalt  }
.Lfunc_end2:
_tile_overlayer_lowered:
.L_overlay_start_2:
0x132: {  	(tag) =	ssettag $0x2  }
0x133: {  	s0 =	rddreg [dreg:$0x0];
	s2 =	stileid.u32  }
0x134: {  	s1 =	rddreg [dreg:$0x1];
	p0 =	sne.s32 s2, $0x0  }
0x135: {  	s3 =	rddreg [dreg:$0x2];
	[bflag:$0x3] =	sbarrier.arrive $0xFFFF;
	s2 =	simm.s32 @!p0 $0x1C02  }
0x136: {  	[timem:s3], [sflag:s2] =	dma.local @!p0 [hbm:s0], s1  }
0x137: {  	s0 =	simm.s32 @!p0 $0x2  }
0x138: {  	_ =	swait.ge @!p0 [sflag:s0], s1  }
0x139: {  	s1 =	ssub.s32 @!p0 $0x0, s1;
	[sflag:s0] =	ssyncset.done @!p0 $0x0  }
0x13a: {  	[sflag:s0] =	ssyncadd.s32 @!p0 s1  }
0x13b: {  	[bflag:$0x3] =	sbarrier.arrive $0xFFFF  }
0x13c: {  	_ =	shalt  }

</sc_bundles>
